<compile_context>
chip_gen: v7x
topology: tpu7x:2x2x1
jax: 0.10.2.dev20260603
libtpu: 0.0.44.dev20260713+nightly
codegen_flags: <defaults>
</compile_context>

<pallas_src>
import functools

import jax
import jax.numpy as jnp
from jax import lax
from jax.experimental import pallas as pl
from jax.experimental.pallas import tpu as pltpu
from jax.experimental.pallas import tpu_sc as plsc

ZP = -10000000000.0
N, C, S = 32, 1000, 512
L = 50
P = 2 * L + 1
PP = 128


def _sc_gather(table, idx):
    info = plsc.get_sparse_core_info()
    nw = info.num_cores * info.num_subcores
    B = idx.shape[0]
    D = table.shape[1]
    b_per_w = B // nw

    mesh = plsc.VectorSubcoreMesh(core_axis_name="c", subcore_axis_name="s")

    @functools.partial(
        pl.kernel,
        mesh=mesh,
        out_type=jax.ShapeDtypeStruct((B, D), jnp.float32),
        scratch_types=[
            pltpu.VMEM((b_per_w,), jnp.int32),
            pltpu.VMEM((b_per_w, D), jnp.float32),
            pltpu.SemaphoreType.DMA,
        ],
    )
    def k(table_hbm, idx_hbm, out_hbm, idx_v, rows_v, sem):
        wid = lax.axis_index("s") * info.num_cores + lax.axis_index("c")
        base = wid * b_per_w
        pltpu.sync_copy(idx_hbm.at[pl.ds(base, b_per_w)], idx_v)
        pltpu.async_copy(table_hbm.at[idx_v], rows_v, sem).wait()
        pltpu.sync_copy(rows_v, out_hbm.at[pl.ds(base, b_per_w)])

    return k(table, idx)


SH = S


def _lse_body(x_ref, out_ref):
    x = x_ref[0].reshape(C // 8, 8, SH)
    s8 = jnp.sum(jnp.exp(x), axis=0)
    out_ref[0, 0] = jnp.log(jnp.sum(s8, axis=0))


def _lse3(a, b, c):
    vmax = jnp.maximum(a, jnp.maximum(b, c))
    return vmax + jnp.log(
        jnp.exp(a - vmax) + jnp.exp(b - vmax) + jnp.exp(c - vmax))


def _rec_body(rows_ref, lse_ref, path_ref, out_ref, g_ref):
    for n in range(N):
        g_ref[n] = rows_ref[n].T - lse_ref[n, 0][:, None]

    pathv = path_ref[...]
    lane = lax.broadcasted_iota(jnp.int32, (N, PP), 1)
    okf1 = lane >= 1
    okf2 = (lane >= 2) & (jnp.roll(pathv, 2, axis=1) != pathv)
    okb1 = lane <= P - 2
    okb2 = (lane <= P - 3) & (jnp.roll(pathv, -2, axis=1) != pathv)
    f32 = jnp.float32
    initA = jnp.where(lane == 0, 0.0, ZP).astype(f32)
    endI = jnp.where((lane == P - 1) | (lane == P - 2), 0.0, ZP).astype(f32)

    def transf(A):
        m1 = jnp.where(okf1, jnp.roll(A, 1, axis=1), ZP)
        m2 = jnp.where(okf2, jnp.roll(A, 2, axis=1), ZP)
        return _lse3(A, m1, m2)

    def transb(D):
        m1 = jnp.where(okb1, jnp.roll(D, -1, axis=1), ZP)
        m2 = jnp.where(okb2, jnp.roll(D, -2, axis=1), ZP)
        return _lse3(D, m1, m2)

    def gslab(s):
        return g_ref[:, s, :]

    def step(i, carry):
        A, D = carry
        A = transf(A) + gslab(i)
        D = transb(D) + gslab(S - 1 - i)
        return A, D

    A0 = transf(initA) + gslab(0)
    D0 = endI + gslab(S - 1)
    A, D = lax.fori_loop(1, S // 2, step, (A0, D0))
    B = transb(D)
    sel = jnp.where(lane <= P - 1, A + B, ZP)
    m = jnp.max(sel, axis=1, keepdims=True)
    loss = -(m + jnp.log(jnp.sum(jnp.exp(sel - m), axis=1, keepdims=True)))
    out_ref[...] = jnp.broadcast_to(loss, (N, PP))


def kernel(input, targets):
    path = jnp.pad(targets.astype(jnp.int32)[:, :, None],
                   ((0, 0), (0, PP // 2 - L), (1, 0))).reshape(N, PP)
    idx = (jnp.arange(N, dtype=jnp.int32)[:, None] * C + path).reshape(N * PP)

    lse = pl.pallas_call(
        _lse_body,
        grid=(N, S // SH),
        in_specs=[pl.BlockSpec((1, C, SH), lambda n, j: (n, 0, j))],
        out_specs=pl.BlockSpec((1, 1, SH), lambda n, j: (n, 0, j)),
        out_shape=jax.ShapeDtypeStruct((N, 1, S), jnp.float32),
    )(input)

    rows = _sc_gather(input.reshape(N * C, S), idx)

    out = pl.pallas_call(
        _rec_body,
        in_specs=[
            pl.BlockSpec((N, PP, S), lambda: (0, 0, 0)),
            pl.BlockSpec((N, 1, S), lambda: (0, 0, 0)),
            pl.BlockSpec((N, PP), lambda: (0, 0)),
        ],
        out_specs=pl.BlockSpec((N, PP), lambda: (0, 0)),
        out_shape=jax.ShapeDtypeStruct((N, PP), jnp.float32),
        scratch_shapes=[pltpu.VMEM((N, S, PP), jnp.float32)],
        grid=(),
    )(rows.reshape(N, PP, S), lse, path)
    return out[:, 0]

# --- scband reference (transcript-rebuilt; emitter-appended) ---
"""Pipeline reference for scband-ctccriterion-19619410608774 (READ-ONLY COPY).

The authoritative reference and input builder live on the scoring server;
editing this copy changes nothing except your own understanding.
"""

import jax, jax.numpy as jnp
import numpy as np

ZERO_PADDING = -10000000000.0
BLANK = 0

def _logsumexp(a, axis=None):
    vmax = jnp.max(a, axis=axis, keepdims=True)
    out = vmax + jnp.log(jnp.sum(jnp.exp(a - vmax), axis=axis, keepdims=True))
    return jnp.squeeze(out, axis=axis)

def _label_to_path(labels, blank):
    n, l = labels.shape
    path = jnp.full((n, 2 * l + 1), blank, dtype=jnp.int32)
    path = path.at[:, 1::2].set(labels.astype(jnp.int32))
    return path

def _flip_path(path, path_length):
    n_batch, n_label = path.shape
    rotate = (jnp.arange(n_label)[None, :] + path_length[:, None]) % n_label
    return path[jnp.arange(n_batch)[:, None], rotate][:, ::-1]

def _flip_label_probability(y, input_length):
    seq, n_batch, n_vocab = y.shape
    rotate = (jnp.arange(seq)[:, None] + input_length[None, :]) % seq
    return y[rotate[:, :, None], jnp.arange(n_batch)[None, :, None], jnp.arange(n_vocab)[None, None, :]][::-1]

def _flip_path_probability(prob, input_length, path_length):
    seq, n_batch, n_label = prob.shape
    rotate_input = (jnp.arange(seq)[:, None] + input_length[None, :]) % seq
    rotate_label = (jnp.arange(n_label)[None, :] + path_length[:, None]) % n_label
    return prob[rotate_input[:, :, None], jnp.arange(n_batch)[None, :, None], rotate_label[None, :, :]][::-1, :, ::-1]

def _computes_transition(prev_prob, path, path_length, cum_prob, y):
    n_batch, max_path_length = path.shape
    m0 = prev_prob
    m1 = jnp.concatenate([jnp.full((n_batch, 1), ZERO_PADDING, dtype=prev_prob.dtype), prev_prob[:, :-1]], axis=1)
    shift2 = jnp.concatenate([jnp.full((n_batch, 2), ZERO_PADDING, dtype=prev_prob.dtype), prev_prob[:, :-2]], axis=1)
    same = jnp.concatenate([jnp.zeros((n_batch, 2), dtype=bool), path[:, :-2] == path[:, 2:]], axis=1)
    m2 = jnp.where(same, ZERO_PADDING, shift2)
    mat = jnp.stack([m0, m1, m2], axis=0)
    prob = _logsumexp(mat, axis=0)
    outside = jnp.arange(max_path_length)[None, :] >= path_length[:, None]
    prob = jnp.where(outside, ZERO_PADDING, prob)
    new_cum = cum_prob + prob
    new_prob = prob + y[jnp.arange(n_batch)[:, None], path]
    return new_prob, new_cum

def _calc_trans(yseq, input_length, path, path_length):
    S, N, C = yseq.shape
    P = path.shape[1]
    seq_index = jnp.arange(S)
    batch_index = jnp.arange(N)
    prob = yseq[seq_index[:, None, None], batch_index[None, :, None], path[None, :, :]]
    init = jnp.full((N, P), ZERO_PADDING, dtype=jnp.float32).at[:, 0].set(0.0)

    def make_step(pth):
        def step(fp, xs):
            cum, y = xs
            new_fp, new_cum = _computes_transition(fp, pth, path_length, cum, y)
            return new_fp, new_cum
        return step

    _, prob_fwd = jax.lax.scan(make_step(path), init, (prob, yseq))
    r_path = _flip_path(path, path_length)
    yseq_inv = _flip_label_probability(yseq, input_length)
    prob_flip = _flip_path_probability(prob_fwd, input_length, path_length)
    _, prob_bwd = jax.lax.scan(make_step(r_path), init, (prob_flip, yseq_inv))
    return _flip_path_probability(prob_bwd, input_length, path_length)

def _ctc_forward(input, targets):
    xs = jnp.transpose(input, (2, 0, 1))
    yseq = jax.nn.softmax(xs, axis=2)
    S, N, C = xs.shape
    input_length = jnp.full((N,), S, dtype=jnp.int32)
    label_length = targets.shape[1]
    path_length = jnp.full((N,), 2 * label_length + 1, dtype=jnp.int32)
    safe = jnp.where(yseq > 0, yseq, 1.0)
    log_yseq = jnp.where(yseq > 0, jnp.log(safe), ZERO_PADDING).astype(jnp.float32)
    path = _label_to_path(targets, BLANK)
    prob_trans = _calc_trans(log_yseq, input_length, path, path_length)
    loss = -_logsumexp(prob_trans[0], axis=1)
    return loss

def setup_inputs(seed: int = 0):
    key = jax.random.key(seed)
    k1, k2 = jax.random.split(key)
    input = jax.random.normal(k1, (32, 1000, 512), dtype=jnp.float32)
    targets = jax.random.randint(k2, (32, 50), 0, 1000, dtype=jnp.int32)
    return {"input": input, "targets": targets}

def reference(input, targets):
    return _ctc_forward(input, targets)

if __name__ == "__main__":
    import jax
    _d = setup_inputs()
    print(jax.jit(kernel)(*tuple(_d.values())))

</pallas_src>

<mosaic_0001>
#map = affine_map<(d0, d1) -> (0, 0)>
#map1 = affine_map<(d0, d1) -> (0)>
module attributes {stable_mosaic.version = 14 : i64} {
  func.func @k(%arg0: i32, %arg1: i32, %arg2: memref<32000x512xf32, #tpu.memory_space<hbm>>, %arg3: memref<4096xi32, #tpu.memory_space<hbm>>, %arg4: memref<4096x512xf32, #tpu.memory_space<hbm>>, %arg5: memref<128xi32, #tpu.memory_space<vmem>>, %arg6: memref<128x512xf32, #tpu.memory_space<vmem>>, %arg7: memref<!tpu.dma_semaphore, #tpu.memory_space<semaphore_mem>>) attributes {dimension_semantics = [#tpu.dimension_semantics<core_parallel>, #tpu.dimension_semantics<subcore_parallel>], iteration_bounds = array<i64: 2, 16>, scalar_prefetch = 0 : i64, scratch_operands = 3 : i64, tpu.core_type = #tpu.core_type<sc_vector_subcore>, window_params = [{transform_indices = #map}, {transform_indices = #map1}, {transform_indices = #map}]} {
    %mul3A = arith.constant 2 : i32
    %mul3A_0 = arith.muli %arg1, %mul3A : i32
    %add3A = arith.addi %mul3A_0, %arg0 : i32
    %mul3A_1 = arith.constant 128 : i32
    %mul3A_2 = arith.muli %add3A, %mul3A_1 : i32
    "tpu.region"() ({
      %run_scoped3A = tpu.sem_alloc : memref<!tpu.dma_semaphore, #tpu.memory_space<semaphore_mem>>
      %dma_start3A_7 = tpu.memref_slice %arg3[%mul3A_2] : memref<4096xi32, #tpu.memory_space<hbm>> -> memref<128xi32, #tpu.memory_space<hbm>>
      %dma_start3A_8 = tpu.memref_slice %arg3[%mul3A_2] : memref<4096xi32, #tpu.memory_space<hbm>> -> memref<128xi32, #tpu.memory_space<hbm>>
      tpu.enqueue_dma source(%dma_start3A_8 : memref<128xi32, #tpu.memory_space<hbm>>) target(%arg5 : memref<128xi32, #tpu.memory_space<vmem>>) target_semaphore(%run_scoped3A : memref<!tpu.dma_semaphore, #tpu.memory_space<semaphore_mem>>)
      %dma_wait3A_9 = tpu.memref_slice %arg3[%mul3A_2] : memref<4096xi32, #tpu.memory_space<hbm>> -> memref<128xi32, #tpu.memory_space<hbm>>
      %dma_wait3A_10 = tpu.memref_slice %arg3[%mul3A_2] : memref<4096xi32, #tpu.memory_space<hbm>> -> memref<128xi32, #tpu.memory_space<hbm>>
      tpu.wait_dma2 semaphore(%run_scoped3A : memref<!tpu.dma_semaphore, #tpu.memory_space<semaphore_mem>>) src(%dma_wait3A_10 : memref<128xi32, #tpu.memory_space<hbm>>) dst(%arg5 : memref<128xi32, #tpu.memory_space<vmem>>)
      tpu.yield
    }) : () -> ()
    %dma_start3A = arith.constant 0 : i32
    %dma_start3A_3 = arith.constant 0 : i32
    %dma_start3A_4 = tpu.memref_slice %arg2[%dma_start3A, %dma_start3A_3] : memref<32000x512xf32, #tpu.memory_space<hbm>> -> memref<32000x512xf32, #tpu.memory_space<hbm>>
    tpu.enqueue_indirect_dma source(%dma_start3A_4 : memref<32000x512xf32, #tpu.memory_space<hbm>>) target(%arg6 : memref<128x512xf32, #tpu.memory_space<vmem>>) offsets(%arg5 : memref<128xi32, #tpu.memory_space<vmem>>) semaphore(%arg7 : memref<!tpu.dma_semaphore, #tpu.memory_space<semaphore_mem>>)
    %dma_wait3A = arith.constant 0 : i32
    %dma_wait3A_5 = arith.constant 0 : i32
    %dma_wait3A_6 = tpu.memref_slice %arg2[%dma_wait3A, %dma_wait3A_5] : memref<32000x512xf32, #tpu.memory_space<hbm>> -> memref<32000x512xf32, #tpu.memory_space<hbm>>
    tpu.wait_indirect_dma semaphore(%arg7 : memref<!tpu.dma_semaphore, #tpu.memory_space<semaphore_mem>>) src(%dma_wait3A_6 : memref<32000x512xf32, #tpu.memory_space<hbm>>) dst(%arg6 : memref<128x512xf32, #tpu.memory_space<vmem>>)
    "tpu.region"() ({
      %run_scoped3A = tpu.sem_alloc : memref<!tpu.dma_semaphore, #tpu.memory_space<semaphore_mem>>
      %dma_start3A_7 = arith.constant 0 : i32
      %dma_start3A_8 = tpu.memref_slice %arg4[%mul3A_2, %dma_start3A_7] : memref<4096x512xf32, #tpu.memory_space<hbm>> -> memref<128x512xf32, #tpu.memory_space<hbm>>
      %dma_start3A_9 = arith.constant 0 : i32
      %dma_start3A_10 = tpu.memref_slice %arg4[%mul3A_2, %dma_start3A_9] : memref<4096x512xf32, #tpu.memory_space<hbm>> -> memref<128x512xf32, #tpu.memory_space<hbm>>
      tpu.enqueue_dma source(%arg6 : memref<128x512xf32, #tpu.memory_space<vmem>>) target(%dma_start3A_10 : memref<128x512xf32, #tpu.memory_space<hbm>>) target_semaphore(%run_scoped3A : memref<!tpu.dma_semaphore, #tpu.memory_space<semaphore_mem>>)
      %dma_wait3A_11 = arith.constant 0 : i32
      %dma_wait3A_12 = tpu.memref_slice %arg4[%mul3A_2, %dma_wait3A_11] : memref<4096x512xf32, #tpu.memory_space<hbm>> -> memref<128x512xf32, #tpu.memory_space<hbm>>
      %dma_wait3A_13 = arith.constant 0 : i32
      %dma_wait3A_14 = tpu.memref_slice %arg4[%mul3A_2, %dma_wait3A_13] : memref<4096x512xf32, #tpu.memory_space<hbm>> -> memref<128x512xf32, #tpu.memory_space<hbm>>
      tpu.wait_dma2 semaphore(%run_scoped3A : memref<!tpu.dma_semaphore, #tpu.memory_space<semaphore_mem>>) src(%arg6 : memref<128x512xf32, #tpu.memory_space<vmem>>) dst(%dma_wait3A_14 : memref<128x512xf32, #tpu.memory_space<hbm>>)
      tpu.yield
    }) : () -> ()
    return
  }
}

module attributes {stable_mosaic.version = 14 : i64} {
  func.func @_lse_body(%arg0: i32, %arg1: i32, %arg2: memref<1x1000x512xf32, #tpu.memory_space<vmem>>, %arg3: memref<1x1x512xf32, #tpu.memory_space<vmem>>) attributes {dimension_semantics = [#tpu.dimension_semantics<arbitrary>, #tpu.dimension_semantics<arbitrary>], iteration_bounds = array<i64: 32, 1>, scalar_prefetch = 0 : i64, scratch_operands = 0 : i64, tpu.core_type = #tpu.core_type<tc>, window_params = [{transform_indices = @transform_0, window_bounds = array<i64: 1, 1000, 512>}, {transform_indices = @transform_1, window_bounds = array<i64: 1, 1, 512>}]} {
    %get3A = arith.constant 0 : index
    %get3A_0 = arith.constant 0 : index
    %get3A_1 = arith.constant 0 : index
    %get3A_2 = vector.load %arg2[%get3A, %get3A_0, %get3A_1] : memref<1x1000x512xf32, #tpu.memory_space<vmem>>, vector<1x1000x512xf32>
    %get3A_3 = vector.shape_cast %get3A_2 : vector<1x1000x512xf32> to vector<1000x512xf32>
    %reshape3A = vector.shape_cast %get3A_3 : vector<1000x512xf32> to vector<125x8x512xf32>
    %exp3A = math.exp %reshape3A : vector<125x8x512xf32>
    %reduce_sum3A = arith.constant dense<0.000000e+00> : vector<8x512xf32>
    %reduce_sum3A_4 = vector.multi_reduction <add>, %exp3A, %reduce_sum3A [0] : vector<125x8x512xf32> to vector<8x512xf32>
    %reduce_sum3A_5 = arith.constant dense<0.000000e+00> : vector<512xf32>
    %reduce_sum3A_6 = vector.multi_reduction <add>, %reduce_sum3A_4, %reduce_sum3A_5 [0] : vector<8x512xf32> to vector<512xf32>
    %log3A = math.log %reduce_sum3A_6 : vector<512xf32>
    %swap3A = arith.constant 0 : index
    %swap3A_7 = arith.constant 0 : index
    %swap3A_8 = arith.constant 0 : index
    %swap3A_9 = vector.load %arg3[%swap3A, %swap3A_7, %swap3A_8] : memref<1x1x512xf32, #tpu.memory_space<vmem>>, vector<1x1x512xf32>
    %swap3A_10 = vector.shape_cast %swap3A_9 : vector<1x1x512xf32> to vector<512xf32>
    %swap3A_11 = vector.shape_cast %log3A : vector<512xf32> to vector<1x1x512xf32>
    tpu.vector_store %arg3[%swap3A, %swap3A_7, %swap3A_8], %swap3A_11 {strides = array<i32>} : memref<1x1x512xf32, #tpu.memory_space<vmem>>, vector<1x1x512xf32>,
    return
  }
  func.func @transform_0(%arg0: i32, %arg1: i32) -> (i32, i32, i32) {
    %c0_i32 = arith.constant 0 : i32
    %c0_i32_0 = arith.constant 0 : i32
    return %arg0, %c0_i32, %arg1 : i32, i32, i32
  }
  func.func @transform_1(%arg0: i32, %arg1: i32) -> (i32, i32, i32) {
    %c0_i32 = arith.constant 0 : i32
    %c0_i32_0 = arith.constant 0 : i32
    return %arg0, %c0_i32, %arg1 : i32, i32, i32
  }
}

module attributes {stable_mosaic.version = 14 : i64} {
  func.func @_rec_body(%arg0: memref<32x128x512xf32, #tpu.memory_space<vmem>>, %arg1: memref<32x1x512xf32, #tpu.memory_space<vmem>>, %arg2: memref<32x128xi32, #tpu.memory_space<vmem>>, %arg3: memref<32x128xf32, #tpu.memory_space<vmem>>, %arg4: memref<32x512x128xf32, #tpu.memory_space<vmem>>) attributes {dimension_semantics = [], scalar_prefetch = 0 : i64, scratch_operands = 1 : i64, tpu.core_type = #tpu.core_type<tc>} {
    %get3A = arith.constant 0 : index
    %get3A_0 = arith.constant 0 : index
    %get3A_1 = arith.constant 0 : index
    %get3A_2 = vector.load %arg0[%get3A, %get3A_0, %get3A_1] : memref<32x128x512xf32, #tpu.memory_space<vmem>>, vector<1x128x512xf32>
    %get3A_3 = vector.shape_cast %get3A_2 : vector<1x128x512xf32> to vector<128x512xf32>
    %transpose3A = tpu.transpose %get3A_3, [1, 0] : vector<128x512xf32> -> vector<512x128xf32>
    %get3A_4 = arith.constant 0 : index
    %get3A_5 = arith.constant 0 : index
    %get3A_6 = arith.constant 0 : index
    %get3A_7 = vector.load %arg1[%get3A_4, %get3A_5, %get3A_6] : memref<32x1x512xf32, #tpu.memory_space<vmem>>, vector<1x1x512xf32>
    %get3A_8 = vector.shape_cast %get3A_7 : vector<1x1x512xf32> to vector<512xf32>
    %broadcast_in_dim3A = vector.shape_cast %get3A_8 : vector<512xf32> to vector<512x1xf32>
    %sub3A = vector.broadcast %broadcast_in_dim3A : vector<512x1xf32> to vector<512x128xf32>
    %sub3A_9 = arith.subf %transpose3A, %sub3A : vector<512x128xf32>
    %swap3A = arith.constant 0 : index
    %swap3A_10 = arith.constant 0 : index
    %swap3A_11 = arith.constant 0 : index
    %swap3A_12 = vector.load %arg4[%swap3A, %swap3A_10, %swap3A_11] : memref<32x512x128xf32, #tpu.memory_space<vmem>>, vector<1x512x128xf32>
    %swap3A_13 = vector.shape_cast %swap3A_12 : vector<1x512x128xf32> to vector<512x128xf32>
    %swap3A_14 = vector.shape_cast %sub3A_9 : vector<512x128xf32> to vector<1x512x128xf32>
    tpu.vector_store %arg4[%swap3A, %swap3A_10, %swap3A_11], %swap3A_14 {strides = array<i32>} : memref<32x512x128xf32, #tpu.memory_space<vmem>>, vector<1x512x128xf32>,
    %get3A_15 = arith.constant 1 : index
    %get3A_16 = arith.constant 0 : index
    %get3A_17 = arith.constant 0 : index
    %get3A_18 = vector.load %arg0[%get3A_15, %get3A_16, %get3A_17] : memref<32x128x512xf32, #tpu.memory_space<vmem>>, vector<1x128x512xf32>
    %get3A_19 = vector.shape_cast %get3A_18 : vector<1x128x512xf32> to vector<128x512xf32>
    %transpose3A_20 = tpu.transpose %get3A_19, [1, 0] : vector<128x512xf32> -> vector<512x128xf32>
    %get3A_21 = arith.constant 1 : index
    %get3A_22 = arith.constant 0 : index
    %get3A_23 = arith.constant 0 : index
    %get3A_24 = vector.load %arg1[%get3A_21, %get3A_22, %get3A_23] : memref<32x1x512xf32, #tpu.memory_space<vmem>>, vector<1x1x512xf32>
    %get3A_25 = vector.shape_cast %get3A_24 : vector<1x1x512xf32> to vector<512xf32>
    %broadcast_in_dim3A_26 = vector.shape_cast %get3A_25 : vector<512xf32> to vector<512x1xf32>
    %sub3A_27 = vector.broadcast %broadcast_in_dim3A_26 : vector<512x1xf32> to vector<512x128xf32>
    %sub3A_28 = arith.subf %transpose3A_20, %sub3A_27 : vector<512x128xf32>
    %swap3A_29 = arith.constant 1 : index
    %swap3A_30 = arith.constant 0 : index
    %swap3A_31 = arith.constant 0 : index
    %swap3A_32 = vector.load %arg4[%swap3A_29, %swap3A_30, %swap3A_31] : memref<32x512x128xf32, #tpu.memory_space<vmem>>, vector<1x512x128xf32>
    %swap3A_33 = vector.shape_cast %swap3A_32 : vector<1x512x128xf32> to vector<512x128xf32>
    %swap3A_34 = vector.shape_cast %sub3A_28 : vector<512x128xf32> to vector<1x512x128xf32>
    tpu.vector_store %arg4[%swap3A_29, %swap3A_30, %swap3A_31], %swap3A_34 {strides = array<i32>} : memref<32x512x128xf32, #tpu.memory_space<vmem>>, vector<1x512x128xf32>,
    %get3A_35 = arith.constant 2 : index
    %get3A_36 = arith.constant 0 : index
    %get3A_37 = arith.constant 0 : index
    %get3A_38 = vector.load %arg0[%get3A_35, %get3A_36, %get3A_37] : memref<32x128x512xf32, #tpu.memory_space<vmem>>, vector<1x128x512xf32>
    %get3A_39 = vector.shape_cast %get3A_38 : vector<1x128x512xf32> to vector<128x512xf32>
    %transpose3A_40 = tpu.transpose %get3A_39, [1, 0] : vector<128x512xf32> -> vector<512x128xf32>
    %get3A_41 = arith.constant 2 : index
    %get3A_42 = arith.constant 0 : index
    %get3A_43 = arith.constant 0 : index
    %get3A_44 = vector.load %arg1[%get3A_41, %get3A_42, %get3A_43] : memref<32x1x512xf32, #tpu.memory_space<vmem>>, vector<1x1x512xf32>
    %get3A_45 = vector.shape_cast %get3A_44 : vector<1x1x512xf32> to vector<512xf32>
    %broadcast_in_dim3A_46 = vector.shape_cast %get3A_45 : vector<512xf32> to vector<512x1xf32>
    %sub3A_47 = vector.broadcast %broadcast_in_dim3A_46 : vector<512x1xf32> to vector<512x128xf32>
    %sub3A_48 = arith.subf %transpose3A_40, %sub3A_47 : vector<512x128xf32>
    %swap3A_49 = arith.constant 2 : index
    %swap3A_50 = arith.constant 0 : index
    %swap3A_51 = arith.constant 0 : index
    %swap3A_52 = vector.load %arg4[%swap3A_49, %swap3A_50, %swap3A_51] : memref<32x512x128xf32, #tpu.memory_space<vmem>>, vector<1x512x128xf32>
    %swap3A_53 = vector.shape_cast %swap3A_52 : vector<1x512x128xf32> to vector<512x128xf32>
    %swap3A_54 = vector.shape_cast %sub3A_48 : vector<512x128xf32> to vector<1x512x128xf32>
    tpu.vector_store %arg4[%swap3A_49, %swap3A_50, %swap3A_51], %swap3A_54 {strides = array<i32>} : memref<32x512x128xf32, #tpu.memory_space<vmem>>, vector<1x512x128xf32>,
    %get3A_55 = arith.constant 3 : index
    %get3A_56 = arith.constant 0 : index
    %get3A_57 = arith.constant 0 : index
    %get3A_58 = vector.load %arg0[%get3A_55, %get3A_56, %get3A_57] : memref<32x128x512xf32, #tpu.memory_space<vmem>>, vector<1x128x512xf32>
    %get3A_59 = vector.shape_cast %get3A_58 : vector<1x128x512xf32> to vector<128x512xf32>
    %transpose3A_60 = tpu.transpose %get3A_59, [1, 0] : vector<128x512xf32> -> vector<512x128xf32>
    %get3A_61 = arith.constant 3 : index
    %get3A_62 = arith.constant 0 : index
    %get3A_63 = arith.constant 0 : index
    %get3A_64 = vector.load %arg1[%get3A_61, %get3A_62, %get3A_63] : memref<32x1x512xf32, #tpu.memory_space<vmem>>, vector<1x1x512xf32>
    %get3A_65 = vector.shape_cast %get3A_64 : vector<1x1x512xf32> to vector<512xf32>
    %broadcast_in_dim3A_66 = vector.shape_cast %get3A_65 : vector<512xf32> to vector<512x1xf32>
    %sub3A_67 = vector.broadcast %broadcast_in_dim3A_66 : vector<512x1xf32> to vector<512x128xf32>
    %sub3A_68 = arith.subf %transpose3A_60, %sub3A_67 : vector<512x128xf32>
    %swap3A_69 = arith.constant 3 : index
    %swap3A_70 = arith.constant 0 : index
    %swap3A_71 = arith.constant 0 : index
    %swap3A_72 = vector.load %arg4[%swap3A_69, %swap3A_70, %swap3A_71] : memref<32x512x128xf32, #tpu.memory_space<vmem>>, vector<1x512x128xf32>
    %swap3A_73 = vector.shape_cast %swap3A_72 : vector<1x512x128xf32> to vector<512x128xf32>
    %swap3A_74 = vector.shape_cast %sub3A_68 : vector<512x128xf32> to vector<1x512x128xf32>
    tpu.vector_store %arg4[%swap3A_69, %swap3A_70, %swap3A_71], %swap3A_74 {strides = array<i32>} : memref<32x512x128xf32, #tpu.memory_space<vmem>>, vector<1x512x128xf32>,
    %get3A_75 = arith.constant 4 : index
    %get3A_76 = arith.constant 0 : index
    %get3A_77 = arith.constant 0 : index
    %get3A_78 = vector.load %arg0[%get3A_75, %get3A_76, %get3A_77] : memref<32x128x512xf32, #tpu.memory_space<vmem>>, vector<1x128x512xf32>
    %get3A_79 = vector.shape_cast %get3A_78 : vector<1x128x512xf32> to vector<128x512xf32>
    %transpose3A_80 = tpu.transpose %get3A_79, [1, 0] : vector<128x512xf32> -> vector<512x128xf32>
    %get3A_81 = arith.constant 4 : index
    %get3A_82 = arith.constant 0 : index
    %get3A_83 = arith.constant 0 : index
    %get3A_84 = vector.load %arg1[%get3A_81, %get3A_82, %get3A_83] : memref<32x1x512xf32, #tpu.memory_space<vmem>>, vector<1x1x512xf32>
    %get3A_85 = vector.shape_cast %get3A_84 : vector<1x1x512xf32> to vector<512xf32>
    %broadcast_in_dim3A_86 = vector.shape_cast %get3A_85 : vector<512xf32> to vector<512x1xf32>
    %sub3A_87 = vector.broadcast %broadcast_in_dim3A_86 : vector<512x1xf32> to vector<512x128xf32>
    %sub3A_88 = arith.subf %transpose3A_80, %sub3A_87 : vector<512x128xf32>
    %swap3A_89 = arith.constant 4 : index
    %swap3A_90 = arith.constant 0 : index
    %swap3A_91 = arith.constant 0 : index
    %swap3A_92 = vector.load %arg4[%swap3A_89, %swap3A_90, %swap3A_91] : memref<32x512x128xf32, #tpu.memory_space<vmem>>, vector<1x512x128xf32>
    %swap3A_93 = vector.shape_cast %swap3A_92 : vector<1x512x128xf32> to vector<512x128xf32>
    %swap3A_94 = vector.shape_cast %sub3A_88 : vector<512x128xf32> to vector<1x512x128xf32>
    tpu.vector_store %arg4[%swap3A_89, %swap3A_90, %swap3A_91], %swap3A_94 {strides = array<i32>} : memref<32x512x128xf32, #tpu.memory_space<vmem>>, vector<1x512x128xf32>,
    %get3A_95 = arith.constant 5 : index
    %get3A_96 = arith.constant 0 : index
    %get3A_97 = arith.constant 0 : index
    %get3A_98 = vector.load %arg0[%get3A_95, %get3A_96, %get3A_97] : memref<32x128x512xf32, #tpu.memory_space<vmem>>, vector<1x128x512xf32>
    %get3A_99 = vector.shape_cast %get3A_98 : vector<1x128x512xf32> to vector<128x512xf32>
    %transpose3A_100 = tpu.transpose %get3A_99, [1, 0] : vector<128x512xf32> -> vector<512x128xf32>
    %get3A_101 = arith.constant 5 : index
    %get3A_102 = arith.constant 0 : index
    %get3A_103 = arith.constant 0 : index
    %get3A_104 = vector.load %arg1[%get3A_101, %get3A_102, %get3A_103] : memref<32x1x512xf32, #tpu.memory_space<vmem>>, vector<1x1x512xf32>
    %get3A_105 = vector.shape_cast %get3A_104 : vector<1x1x512xf32> to vector<512xf32>
    %broadcast_in_dim3A_106 = vector.shape_cast %get3A_105 : vector<512xf32> to vector<512x1xf32>
    %sub3A_107 = vector.broadcast %broadcast_in_dim3A_106 : vector<512x1xf32> to vector<512x128xf32>
    %sub3A_108 = arith.subf %transpose3A_100, %sub3A_107 : vector<512x128xf32>
    %swap3A_109 = arith.constant 5 : index
    %swap3A_110 = arith.constant 0 : index
    %swap3A_111 = arith.constant 0 : index
    %swap3A_112 = vector.load %arg4[%swap3A_109, %swap3A_110, %swap3A_111] : memref<32x512x128xf32, #tpu.memory_space<vmem>>, vector<1x512x128xf32>
    %swap3A_113 = vector.shape_cast %swap3A_112 : vector<1x512x128xf32> to vector<512x128xf32>
    %swap3A_114 = vector.shape_cast %sub3A_108 : vector<512x128xf32> to vector<1x512x128xf32>
    tpu.vector_store %arg4[%swap3A_109, %swap3A_110, %swap3A_111], %swap3A_114 {strides = array<i32>} : memref<32x512x128xf32, #tpu.memory_space<vmem>>, vector<1x512x128xf32>,
    %get3A_115 = arith.constant 6 : index
    %get3A_116 = arith.constant 0 : index
    %get3A_117 = arith.constant 0 : index
    %get3A_118 = vector.load %arg0[%get3A_115, %get3A_116, %get3A_117] : memref<32x128x512xf32, #tpu.memory_space<vmem>>, vector<1x128x512xf32>
    %get3A_119 = vector.shape_cast %get3A_118 : vector<1x128x512xf32> to vector<128x512xf32>
    %transpose3A_120 = tpu.transpose %get3A_119, [1, 0] : vector<128x512xf32> -> vector<512x128xf32>
    %get3A_121 = arith.constant 6 : index
    %get3A_122 = arith.constant 0 : index
    %get3A_123 = arith.constant 0 : index
    %get3A_124 = vector.load %arg1[%get3A_121, %get3A_122, %get3A_123] : memref<32x1x512xf32, #tpu.memory_space<vmem>>, vector<1x1x512xf32>
    %get3A_125 = vector.shape_cast %get3A_124 : vector<1x1x512xf32> to vector<512xf32>
    %broadcast_in_dim3A_126 = vector.shape_cast %get3A_125 : vector<512xf32> to vector<512x1xf32>
    %sub3A_127 = vector.broadcast %broadcast_in_dim3A_126 : vector<512x1xf32> to vector<512x128xf32>
    %sub3A_128 = arith.subf %transpose3A_120, %sub3A_127 : vector<512x128xf32>
    %swap3A_129 = arith.constant 6 : index
    %swap3A_130 = arith.constant 0 : index
    %swap3A_131 = arith.constant 0 : index
    %swap3A_132 = vector.load %arg4[%swap3A_129, %swap3A_130, %swap3A_131] : memref<32x512x128xf32, #tpu.memory_space<vmem>>, vector<1x512x128xf32>
    %swap3A_133 = vector.shape_cast %swap3A_132 : vector<1x512x128xf32> to vector<512x128xf32>
    %swap3A_134 = vector.shape_cast %sub3A_128 : vector<512x128xf32> to vector<1x512x128xf32>
    tpu.vector_store %arg4[%swap3A_129, %swap3A_130, %swap3A_131], %swap3A_134 {strides = array<i32>} : memref<32x512x128xf32, #tpu.memory_space<vmem>>, vector<1x512x128xf32>,
    %get3A_135 = arith.constant 7 : index
    %get3A_136 = arith.constant 0 : index
    %get3A_137 = arith.constant 0 : index
    %get3A_138 = vector.load %arg0[%get3A_135, %get3A_136, %get3A_137] : memref<32x128x512xf32, #tpu.memory_space<vmem>>, vector<1x128x512xf32>
    %get3A_139 = vector.shape_cast %get3A_138 : vector<1x128x512xf32> to vector<128x512xf32>
    %transpose3A_140 = tpu.transpose %get3A_139, [1, 0] : vector<128x512xf32> -> vector<512x128xf32>
    %get3A_141 = arith.constant 7 : index
    %get3A_142 = arith.constant 0 : index
    %get3A_143 = arith.constant 0 : index
    %get3A_144 = vector.load %arg1[%get3A_141, %get3A_142, %get3A_143] : memref<32x1x512xf32, #tpu.memory_space<vmem>>, vector<1x1x512xf32>
    %get3A_145 = vector.shape_cast %get3A_144 : vector<1x1x512xf32> to vector<512xf32>
    %broadcast_in_dim3A_146 = vector.shape_cast %get3A_145 : vector<512xf32> to vector<512x1xf32>
    %sub3A_147 = vector.broadcast %broadcast_in_dim3A_146 : vector<512x1xf32> to vector<512x128xf32>
    %sub3A_148 = arith.subf %transpose3A_140, %sub3A_147 : vector<512x128xf32>
    %swap3A_149 = arith.constant 7 : index
    %swap3A_150 = arith.constant 0 : index
    %swap3A_151 = arith.constant 0 : index
    %swap3A_152 = vector.load %arg4[%swap3A_149, %swap3A_150, %swap3A_151] : memref<32x512x128xf32, #tpu.memory_space<vmem>>, vector<1x512x128xf32>
    %swap3A_153 = vector.shape_cast %swap3A_152 : vector<1x512x128xf32> to vector<512x128xf32>
    %swap3A_154 = vector.shape_cast %sub3A_148 : vector<512x128xf32> to vector<1x512x128xf32>
    tpu.vector_store %arg4[%swap3A_149, %swap3A_150, %swap3A_151], %swap3A_154 {strides = array<i32>} : memref<32x512x128xf32, #tpu.memory_space<vmem>>, vector<1x512x128xf32>,
    %get3A_155 = arith.constant 8 : index
    %get3A_156 = arith.constant 0 : index
    %get3A_157 = arith.constant 0 : index
    %get3A_158 = vector.load %arg0[%get3A_155, %get3A_156, %get3A_157] : memref<32x128x512xf32, #tpu.memory_space<vmem>>, vector<1x128x512xf32>
    %get3A_159 = vector.shape_cast %get3A_158 : vector<1x128x512xf32> to vector<128x512xf32>
    %transpose3A_160 = tpu.transpose %get3A_159, [1, 0] : vector<128x512xf32> -> vector<512x128xf32>
    %get3A_161 = arith.constant 8 : index
    %get3A_162 = arith.constant 0 : index
    %get3A_163 = arith.constant 0 : index
    %get3A_164 = vector.load %arg1[%get3A_161, %get3A_162, %get3A_163] : memref<32x1x512xf32, #tpu.memory_space<vmem>>, vector<1x1x512xf32>
    %get3A_165 = vector.shape_cast %get3A_164 : vector<1x1x512xf32> to vector<512xf32>
    %broadcast_in_dim3A_166 = vector.shape_cast %get3A_165 : vector<512xf32> to vector<512x1xf32>
    %sub3A_167 = vector.broadcast %broadcast_in_dim3A_166 : vector<512x1xf32> to vector<512x128xf32>
    %sub3A_168 = arith.subf %transpose3A_160, %sub3A_167 : vector<512x128xf32>
    %swap3A_169 = arith.constant 8 : index
    %swap3A_170 = arith.constant 0 : index
    %swap3A_171 = arith.constant 0 : index
    %swap3A_172 = vector.load %arg4[%swap3A_169, %swap3A_170, %swap3A_171] : memref<32x512x128xf32, #tpu.memory_space<vmem>>, vector<1x512x128xf32>
    %swap3A_173 = vector.shape_cast %swap3A_172 : vector<1x512x128xf32> to vector<512x128xf32>
    %swap3A_174 = vector.shape_cast %sub3A_168 : vector<512x128xf32> to vector<1x512x128xf32>
    tpu.vector_store %arg4[%swap3A_169, %swap3A_170, %swap3A_171], %swap3A_174 {strides = array<i32>} : memref<32x512x128xf32, #tpu.memory_space<vmem>>, vector<1x512x128xf32>,
    %get3A_175 = arith.constant 9 : index
    %get3A_176 = arith.constant 0 : index
    %get3A_177 = arith.constant 0 : index
    %get3A_178 = vector.load %arg0[%get3A_175, %get3A_176, %get3A_177] : memref<32x128x512xf32, #tpu.memory_space<vmem>>, vector<1x128x512xf32>
    %get3A_179 = vector.shape_cast %get3A_178 : vector<1x128x512xf32> to vector<128x512xf32>
    %transpose3A_180 = tpu.transpose %get3A_179, [1, 0] : vector<128x512xf32> -> vector<512x128xf32>
    %get3A_181 = arith.constant 9 : index
    %get3A_182 = arith.constant 0 : index
    %get3A_183 = arith.constant 0 : index
    %get3A_184 = vector.load %arg1[%get3A_181, %get3A_182, %get3A_183] : memref<32x1x512xf32, #tpu.memory_space<vmem>>, vector<1x1x512xf32>
    %get3A_185 = vector.shape_cast %get3A_184 : vector<1x1x512xf32> to vector<512xf32>
    %broadcast_in_dim3A_186 = vector.shape_cast %get3A_185 : vector<512xf32> to vector<512x1xf32>
    %sub3A_187 = vector.broadcast %broadcast_in_dim3A_186 : vector<512x1xf32> to vector<512x128xf32>
    %sub3A_188 = arith.subf %transpose3A_180, %sub3A_187 : vector<512x128xf32>
    %swap3A_189 = arith.constant 9 : index
    %swap3A_190 = arith.constant 0 : index
    %swap3A_191 = arith.constant 0 : index
    %swap3A_192 = vector.load %arg4[%swap3A_189, %swap3A_190, %swap3A_191] : memref<32x512x128xf32, #tpu.memory_space<vmem>>, vector<1x512x128xf32>
    %swap3A_193 = vector.shape_cast %swap3A_192 : vector<1x512x128xf32> to vector<512x128xf32>
    %swap3A_194 = vector.shape_cast %sub3A_188 : vector<512x128xf32> to vector<1x512x128xf32>
    tpu.vector_store %arg4[%swap3A_189, %swap3A_190, %swap3A_191], %swap3A_194 {strides = array<i32>} : memref<32x512x128xf32, #tpu.memory_space<vmem>>, vector<1x512x128xf32>,
    %get3A_195 = arith.constant 10 : index
    %get3A_196 = arith.constant 0 : index
    %get3A_197 = arith.constant 0 : index
    %get3A_198 = vector.load %arg0[%get3A_195, %get3A_196, %get3A_197] : memref<32x128x512xf32, #tpu.memory_space<vmem>>, vector<1x128x512xf32>
    %get3A_199 = vector.shape_cast %get3A_198 : vector<1x128x512xf32> to vector<128x512xf32>
    %transpose3A_200 = tpu.transpose %get3A_199, [1, 0] : vector<128x512xf32> -> vector<512x128xf32>
    %get3A_201 = arith.constant 10 : index
    %get3A_202 = arith.constant 0 : index
    %get3A_203 = arith.constant 0 : index
    %get3A_204 = vector.load %arg1[%get3A_201, %get3A_202, %get3A_203] : memref<32x1x512xf32, #tpu.memory_space<vmem>>, vector<1x1x512xf32>
    %get3A_205 = vector.shape_cast %get3A_204 : vector<1x1x512xf32> to vector<512xf32>
    %broadcast_in_dim3A_206 = vector.shape_cast %get3A_205 : vector<512xf32> to vector<512x1xf32>
    %sub3A_207 = vector.broadcast %broadcast_in_dim3A_206 : vector<512x1xf32> to vector<512x128xf32>
    %sub3A_208 = arith.subf %transpose3A_200, %sub3A_207 : vector<512x128xf32>
    %swap3A_209 = arith.constant 10 : index
    %swap3A_210 = arith.constant 0 : index
    %swap3A_211 = arith.constant 0 : index
    %swap3A_212 = vector.load %arg4[%swap3A_209, %swap3A_210, %swap3A_211] : memref<32x512x128xf32, #tpu.memory_space<vmem>>, vector<1x512x128xf32>
    %swap3A_213 = vector.shape_cast %swap3A_212 : vector<1x512x128xf32> to vector<512x128xf32>
    %swap3A_214 = vector.shape_cast %sub3A_208 : vector<512x128xf32> to vector<1x512x128xf32>
    tpu.vector_store %arg4[%swap3A_209, %swap3A_210, %swap3A_211], %swap3A_214 {strides = array<i32>} : memref<32x512x128xf32, #tpu.memory_space<vmem>>, vector<1x512x128xf32>,
    %get3A_215 = arith.constant 11 : index
    %get3A_216 = arith.constant 0 : index
    %get3A_217 = arith.constant 0 : index
    %get3A_218 = vector.load %arg0[%get3A_215, %get3A_216, %get3A_217] : memref<32x128x512xf32, #tpu.memory_space<vmem>>, vector<1x128x512xf32>
    %get3A_219 = vector.shape_cast %get3A_218 : vector<1x128x512xf32> to vector<128x512xf32>
    %transpose3A_220 = tpu.transpose %get3A_219, [1, 0] : vector<128x512xf32> -> vector<512x128xf32>
    %get3A_221 = arith.constant 11 : index
    %get3A_222 = arith.constant 0 : index
    %get3A_223 = arith.constant 0 : index
    %get3A_224 = vector.load %arg1[%get3A_221, %get3A_222, %get3A_223] : memref<32x1x512xf32, #tpu.memory_space<vmem>>, vector<1x1x512xf32>
    %get3A_225 = vector.shape_cast %get3A_224 : vector<1x1x512xf32> to vector<512xf32>
    %broadcast_in_dim3A_226 = vector.shape_cast %get3A_225 : vector<512xf32> to vector<512x1xf32>
    %sub3A_227 = vector.broadcast %broadcast_in_dim3A_226 : vector<512x1xf32> to vector<512x128xf32>
    %sub3A_228 = arith.subf %transpose3A_220, %sub3A_227 : vector<512x128xf32>
    %swap3A_229 = arith.constant 11 : index
    %swap3A_230 = arith.constant 0 : index
    %swap3A_231 = arith.constant 0 : index
    %swap3A_232 = vector.load %arg4[%swap3A_229, %swap3A_230, %swap3A_231] : memref<32x512x128xf32, #tpu.memory_space<vmem>>, vector<1x512x128xf32>
    %swap3A_233 = vector.shape_cast %swap3A_232 : vector<1x512x128xf32> to vector<512x128xf32>
    %swap3A_234 = vector.shape_cast %sub3A_228 : vector<512x128xf32> to vector<1x512x128xf32>
    tpu.vector_store %arg4[%swap3A_229, %swap3A_230, %swap3A_231], %swap3A_234 {strides = array<i32>} : memref<32x512x128xf32, #tpu.memory_space<vmem>>, vector<1x512x128xf32>,
    %get3A_235 = arith.constant 12 : index
    %get3A_236 = arith.constant 0 : index
    %get3A_237 = arith.constant 0 : index
    %get3A_238 = vector.load %arg0[%get3A_235, %get3A_236, %get3A_237] : memref<32x128x512xf32, #tpu.memory_space<vmem>>, vector<1x128x512xf32>
    %get3A_239 = vector.shape_cast %get3A_238 : vector<1x128x512xf32> to vector<128x512xf32>
    %transpose3A_240 = tpu.transpose %get3A_239, [1, 0] : vector<128x512xf32> -> vector<512x128xf32>
    %get3A_241 = arith.constant 12 : index
    %get3A_242 = arith.constant 0 : index
    %get3A_243 = arith.constant 0 : index
    %get3A_244 = vector.load %arg1[%get3A_241, %get3A_242, %get3A_243] : memref<32x1x512xf32, #tpu.memory_space<vmem>>, vector<1x1x512xf32>
    %get3A_245 = vector.shape_cast %get3A_244 : vector<1x1x512xf32> to vector<512xf32>
    %broadcast_in_dim3A_246 = vector.shape_cast %get3A_245 : vector<512xf32> to vector<512x1xf32>
    %sub3A_247 = vector.broadcast %broadcast_in_dim3A_246 : vector<512x1xf32> to vector<512x128xf32>
    %sub3A_248 = arith.subf %transpose3A_240, %sub3A_247 : vector<512x128xf32>
    %swap3A_249 = arith.constant 12 : index
    %swap3A_250 = arith.constant 0 : index
    %swap3A_251 = arith.constant 0 : index
    %swap3A_252 = vector.load %arg4[%swap3A_249, %swap3A_250, %swap3A_251] : memref<32x512x128xf32, #tpu.memory_space<vmem>>, vector<1x512x128xf32>
    %swap3A_253 = vector.shape_cast %swap3A_252 : vector<1x512x128xf32> to vector<512x128xf32>
    %swap3A_254 = vector.shape_cast %sub3A_248 : vector<512x128xf32> to vector<1x512x128xf32>
    tpu.vector_store %arg4[%swap3A_249, %swap3A_250, %swap3A_251], %swap3A_254 {strides = array<i32>} : memref<32x512x128xf32, #tpu.memory_space<vmem>>, vector<1x512x128xf32>,
    %get3A_255 = arith.constant 13 : index
    %get3A_256 = arith.constant 0 : index
    %get3A_257 = arith.constant 0 : index
    %get3A_258 = vector.load %arg0[%get3A_255, %get3A_256, %get3A_257] : memref<32x128x512xf32, #tpu.memory_space<vmem>>, vector<1x128x512xf32>
    %get3A_259 = vector.shape_cast %get3A_258 : vector<1x128x512xf32> to vector<128x512xf32>
    %transpose3A_260 = tpu.transpose %get3A_259, [1, 0] : vector<128x512xf32> -> vector<512x128xf32>
    %get3A_261 = arith.constant 13 : index
    %get3A_262 = arith.constant 0 : index
    %get3A_263 = arith.constant 0 : index
    %get3A_264 = vector.load %arg1[%get3A_261, %get3A_262, %get3A_263] : memref<32x1x512xf32, #tpu.memory_space<vmem>>, vector<1x1x512xf32>
    %get3A_265 = vector.shape_cast %get3A_264 : vector<1x1x512xf32> to vector<512xf32>
    %broadcast_in_dim3A_266 = vector.shape_cast %get3A_265 : vector<512xf32> to vector<512x1xf32>
    %sub3A_267 = vector.broadcast %broadcast_in_dim3A_266 : vector<512x1xf32> to vector<512x128xf32>
    %sub3A_268 = arith.subf %transpose3A_260, %sub3A_267 : vector<512x128xf32>
    %swap3A_269 = arith.constant 13 : index
    %swap3A_270 = arith.constant 0 : index
    %swap3A_271 = arith.constant 0 : index
    %swap3A_272 = vector.load %arg4[%swap3A_269, %swap3A_270, %swap3A_271] : memref<32x512x128xf32, #tpu.memory_space<vmem>>, vector<1x512x128xf32>
    %swap3A_273 = vector.shape_cast %swap3A_272 : vector<1x512x128xf32> to vector<512x128xf32>
    %swap3A_274 = vector.shape_cast %sub3A_268 : vector<512x128xf32> to vector<1x512x128xf32>
    tpu.vector_store %arg4[%swap3A_269, %swap3A_270, %swap3A_271], %swap3A_274 {strides = array<i32>} : memref<32x512x128xf32, #tpu.memory_space<vmem>>, vector<1x512x128xf32>,
    %get3A_275 = arith.constant 14 : index
    %get3A_276 = arith.constant 0 : index
    %get3A_277 = arith.constant 0 : index
    %get3A_278 = vector.load %arg0[%get3A_275, %get3A_276, %get3A_277] : memref<32x128x512xf32, #tpu.memory_space<vmem>>, vector<1x128x512xf32>
    %get3A_279 = vector.shape_cast %get3A_278 : vector<1x128x512xf32> to vector<128x512xf32>
    %transpose3A_280 = tpu.transpose %get3A_279, [1, 0] : vector<128x512xf32> -> vector<512x128xf32>
    %get3A_281 = arith.constant 14 : index
    %get3A_282 = arith.constant 0 : index
    %get3A_283 = arith.constant 0 : index
    %get3A_284 = vector.load %arg1[%get3A_281, %get3A_282, %get3A_283] : memref<32x1x512xf32, #tpu.memory_space<vmem>>, vector<1x1x512xf32>
    %get3A_285 = vector.shape_cast %get3A_284 : vector<1x1x512xf32> to vector<512xf32>
    %broadcast_in_dim3A_286 = vector.shape_cast %get3A_285 : vector<512xf32> to vector<512x1xf32>
    %sub3A_287 = vector.broadcast %broadcast_in_dim3A_286 : vector<512x1xf32> to vector<512x128xf32>
    %sub3A_288 = arith.subf %transpose3A_280, %sub3A_287 : vector<512x128xf32>
    %swap3A_289 = arith.constant 14 : index
    %swap3A_290 = arith.constant 0 : index
    %swap3A_291 = arith.constant 0 : index
    %swap3A_292 = vector.load %arg4[%swap3A_289, %swap3A_290, %swap3A_291] : memref<32x512x128xf32, #tpu.memory_space<vmem>>, vector<1x512x128xf32>
    %swap3A_293 = vector.shape_cast %swap3A_292 : vector<1x512x128xf32> to vector<512x128xf32>
    %swap3A_294 = vector.shape_cast %sub3A_288 : vector<512x128xf32> to vector<1x512x128xf32>
    tpu.vector_store %arg4[%swap3A_289, %swap3A_290, %swap3A_291], %swap3A_294 {strides = array<i32>} : memref<32x512x128xf32, #tpu.memory_space<vmem>>, vector<1x512x128xf32>,
    %get3A_295 = arith.constant 15 : index
    %get3A_296 = arith.constant 0 : index
    %get3A_297 = arith.constant 0 : index
    %get3A_298 = vector.load %arg0[%get3A_295, %get3A_296, %get3A_297] : memref<32x128x512xf32, #tpu.memory_space<vmem>>, vector<1x128x512xf32>
    %get3A_299 = vector.shape_cast %get3A_298 : vector<1x128x512xf32> to vector<128x512xf32>
    %transpose3A_300 = tpu.transpose %get3A_299, [1, 0] : vector<128x512xf32> -> vector<512x128xf32>
    %get3A_301 = arith.constant 15 : index
    %get3A_302 = arith.constant 0 : index
    %get3A_303 = arith.constant 0 : index
    %get3A_304 = vector.load %arg1[%get3A_301, %get3A_302, %get3A_303] : memref<32x1x512xf32, #tpu.memory_space<vmem>>, vector<1x1x512xf32>
    %get3A_305 = vector.shape_cast %get3A_304 : vector<1x1x512xf32> to vector<512xf32>
    %broadcast_in_dim3A_306 = vector.shape_cast %get3A_305 : vector<512xf32> to vector<512x1xf32>
    %sub3A_307 = vector.broadcast %broadcast_in_dim3A_306 : vector<512x1xf32> to vector<512x128xf32>
    %sub3A_308 = arith.subf %transpose3A_300, %sub3A_307 : vector<512x128xf32>
    %swap3A_309 = arith.constant 15 : index
    %swap3A_310 = arith.constant 0 : index
    %swap3A_311 = arith.constant 0 : index
    %swap3A_312 = vector.load %arg4[%swap3A_309, %swap3A_310, %swap3A_311] : memref<32x512x128xf32, #tpu.memory_space<vmem>>, vector<1x512x128xf32>
    %swap3A_313 = vector.shape_cast %swap3A_312 : vector<1x512x128xf32> to vector<512x128xf32>
    %swap3A_314 = vector.shape_cast %sub3A_308 : vector<512x128xf32> to vector<1x512x128xf32>
    tpu.vector_store %arg4[%swap3A_309, %swap3A_310, %swap3A_311], %swap3A_314 {strides = array<i32>} : memref<32x512x128xf32, #tpu.memory_space<vmem>>, vector<1x512x128xf32>,
    %get3A_315 = arith.constant 16 : index
    %get3A_316 = arith.constant 0 : index
    %get3A_317 = arith.constant 0 : index
    %get3A_318 = vector.load %arg0[%get3A_315, %get3A_316, %get3A_317] : memref<32x128x512xf32, #tpu.memory_space<vmem>>, vector<1x128x512xf32>
    %get3A_319 = vector.shape_cast %get3A_318 : vector<1x128x512xf32> to vector<128x512xf32>
    %transpose3A_320 = tpu.transpose %get3A_319, [1, 0] : vector<128x512xf32> -> vector<512x128xf32>
    %get3A_321 = arith.constant 16 : index
    %get3A_322 = arith.constant 0 : index
    %get3A_323 = arith.constant 0 : index
    %get3A_324 = vector.load %arg1[%get3A_321, %get3A_322, %get3A_323] : memref<32x1x512xf32, #tpu.memory_space<vmem>>, vector<1x1x512xf32>
    %get3A_325 = vector.shape_cast %get3A_324 : vector<1x1x512xf32> to vector<512xf32>
    %broadcast_in_dim3A_326 = vector.shape_cast %get3A_325 : vector<512xf32> to vector<512x1xf32>
    %sub3A_327 = vector.broadcast %broadcast_in_dim3A_326 : vector<512x1xf32> to vector<512x128xf32>
    %sub3A_328 = arith.subf %transpose3A_320, %sub3A_327 : vector<512x128xf32>
    %swap3A_329 = arith.constant 16 : index
    %swap3A_330 = arith.constant 0 : index
    %swap3A_331 = arith.constant 0 : index
    %swap3A_332 = vector.load %arg4[%swap3A_329, %swap3A_330, %swap3A_331] : memref<32x512x128xf32, #tpu.memory_space<vmem>>, vector<1x512x128xf32>
    %swap3A_333 = vector.shape_cast %swap3A_332 : vector<1x512x128xf32> to vector<512x128xf32>
    %swap3A_334 = vector.shape_cast %sub3A_328 : vector<512x128xf32> to vector<1x512x128xf32>
    tpu.vector_store %arg4[%swap3A_329, %swap3A_330, %swap3A_331], %swap3A_334 {strides = array<i32>} : memref<32x512x128xf32, #tpu.memory_space<vmem>>, vector<1x512x128xf32>,
    %get3A_335 = arith.constant 17 : index
    %get3A_336 = arith.constant 0 : index
    %get3A_337 = arith.constant 0 : index
    %get3A_338 = vector.load %arg0[%get3A_335, %get3A_336, %get3A_337] : memref<32x128x512xf32, #tpu.memory_space<vmem>>, vector<1x128x512xf32>
    %get3A_339 = vector.shape_cast %get3A_338 : vector<1x128x512xf32> to vector<128x512xf32>
    %transpose3A_340 = tpu.transpose %get3A_339, [1, 0] : vector<128x512xf32> -> vector<512x128xf32>
    %get3A_341 = arith.constant 17 : index
    %get3A_342 = arith.constant 0 : index
    %get3A_343 = arith.constant 0 : index
    %get3A_344 = vector.load %arg1[%get3A_341, %get3A_342, %get3A_343] : memref<32x1x512xf32, #tpu.memory_space<vmem>>, vector<1x1x512xf32>
    %get3A_345 = vector.shape_cast %get3A_344 : vector<1x1x512xf32> to vector<512xf32>
    %broadcast_in_dim3A_346 = vector.shape_cast %get3A_345 : vector<512xf32> to vector<512x1xf32>
    %sub3A_347 = vector.broadcast %broadcast_in_dim3A_346 : vector<512x1xf32> to vector<512x128xf32>
    %sub3A_348 = arith.subf %transpose3A_340, %sub3A_347 : vector<512x128xf32>
    %swap3A_349 = arith.constant 17 : index
    %swap3A_350 = arith.constant 0 : index
    %swap3A_351 = arith.constant 0 : index
    %swap3A_352 = vector.load %arg4[%swap3A_349, %swap3A_350, %swap3A_351] : memref<32x512x128xf32, #tpu.memory_space<vmem>>, vector<1x512x128xf32>
    %swap3A_353 = vector.shape_cast %swap3A_352 : vector<1x512x128xf32> to vector<512x128xf32>
    %swap3A_354 = vector.shape_cast %sub3A_348 : vector<512x128xf32> to vector<1x512x128xf32>
    tpu.vector_store %arg4[%swap3A_349, %swap3A_350, %swap3A_351], %swap3A_354 {strides = array<i32>} : memref<32x512x128xf32, #tpu.memory_space<vmem>>, vector<1x512x128xf32>,
    %get3A_355 = arith.constant 18 : index
    %get3A_356 = arith.constant 0 : index
    %get3A_357 = arith.constant 0 : index
    %get3A_358 = vector.load %arg0[%get3A_355, %get3A_356, %get3A_357] : memref<32x128x512xf32, #tpu.memory_space<vmem>>, vector<1x128x512xf32>
    %get3A_359 = vector.shape_cast %get3A_358 : vector<1x128x512xf32> to vector<128x512xf32>
    %transpose3A_360 = tpu.transpose %get3A_359, [1, 0] : vector<128x512xf32> -> vector<512x128xf32>
    %get3A_361 = arith.constant 18 : index
    %get3A_362 = arith.constant 0 : index
    %get3A_363 = arith.constant 0 : index
    %get3A_364 = vector.load %arg1[%get3A_361, %get3A_362, %get3A_363] : memref<32x1x512xf32, #tpu.memory_space<vmem>>, vector<1x1x512xf32>
    %get3A_365 = vector.shape_cast %get3A_364 : vector<1x1x512xf32> to vector<512xf32>
    %broadcast_in_dim3A_366 = vector.shape_cast %get3A_365 : vector<512xf32> to vector<512x1xf32>
    %sub3A_367 = vector.broadcast %broadcast_in_dim3A_366 : vector<512x1xf32> to vector<512x128xf32>
    %sub3A_368 = arith.subf %transpose3A_360, %sub3A_367 : vector<512x128xf32>
    %swap3A_369 = arith.constant 18 : index
    %swap3A_370 = arith.constant 0 : index
    %swap3A_371 = arith.constant 0 : index
    %swap3A_372 = vector.load %arg4[%swap3A_369, %swap3A_370, %swap3A_371] : memref<32x512x128xf32, #tpu.memory_space<vmem>>, vector<1x512x128xf32>
    %swap3A_373 = vector.shape_cast %swap3A_372 : vector<1x512x128xf32> to vector<512x128xf32>
    %swap3A_374 = vector.shape_cast %sub3A_368 : vector<512x128xf32> to vector<1x512x128xf32>
    tpu.vector_store %arg4[%swap3A_369, %swap3A_370, %swap3A_371], %swap3A_374 {strides = array<i32>} : memref<32x512x128xf32, #tpu.memory_space<vmem>>, vector<1x512x128xf32>,
    %get3A_375 = arith.constant 19 : index
    %get3A_376 = arith.constant 0 : index
    %get3A_377 = arith.constant 0 : index
    %get3A_378 = vector.load %arg0[%get3A_375, %get3A_376, %get3A_377] : memref<32x128x512xf32, #tpu.memory_space<vmem>>, vector<1x128x512xf32>
    %get3A_379 = vector.shape_cast %get3A_378 : vector<1x128x512xf32> to vector<128x512xf32>
    %transpose3A_380 = tpu.transpose %get3A_379, [1, 0] : vector<128x512xf32> -> vector<512x128xf32>
    %get3A_381 = arith.constant 19 : index
    %get3A_382 = arith.constant 0 : index
    %get3A_383 = arith.constant 0 : index
    %get3A_384 = vector.load %arg1[%get3A_381, %get3A_382, %get3A_383] : memref<32x1x512xf32, #tpu.memory_space<vmem>>, vector<1x1x512xf32>
    %get3A_385 = vector.shape_cast %get3A_384 : vector<1x1x512xf32> to vector<512xf32>
    %broadcast_in_dim3A_386 = vector.shape_cast %get3A_385 : vector<512xf32> to vector<512x1xf32>
    %sub3A_387 = vector.broadcast %broadcast_in_dim3A_386 : vector<512x1xf32> to vector<512x128xf32>
    %sub3A_388 = arith.subf %transpose3A_380, %sub3A_387 : vector<512x128xf32>
    %swap3A_389 = arith.constant 19 : index
    %swap3A_390 = arith.constant 0 : index
    %swap3A_391 = arith.constant 0 : index
    %swap3A_392 = vector.load %arg4[%swap3A_389, %swap3A_390, %swap3A_391] : memref<32x512x128xf32, #tpu.memory_space<vmem>>, vector<1x512x128xf32>
    %swap3A_393 = vector.shape_cast %swap3A_392 : vector<1x512x128xf32> to vector<512x128xf32>
    %swap3A_394 = vector.shape_cast %sub3A_388 : vector<512x128xf32> to vector<1x512x128xf32>
    tpu.vector_store %arg4[%swap3A_389, %swap3A_390, %swap3A_391], %swap3A_394 {strides = array<i32>} : memref<32x512x128xf32, #tpu.memory_space<vmem>>, vector<1x512x128xf32>,
    %get3A_395 = arith.constant 20 : index
    %get3A_396 = arith.constant 0 : index
    %get3A_397 = arith.constant 0 : index
    %get3A_398 = vector.load %arg0[%get3A_395, %get3A_396, %get3A_397] : memref<32x128x512xf32, #tpu.memory_space<vmem>>, vector<1x128x512xf32>
    %get3A_399 = vector.shape_cast %get3A_398 : vector<1x128x512xf32> to vector<128x512xf32>
    %transpose3A_400 = tpu.transpose %get3A_399, [1, 0] : vector<128x512xf32> -> vector<512x128xf32>
    %get3A_401 = arith.constant 20 : index
    %get3A_402 = arith.constant 0 : index
    %get3A_403 = arith.constant 0 : index
    %get3A_404 = vector.load %arg1[%get3A_401, %get3A_402, %get3A_403] : memref<32x1x512xf32, #tpu.memory_space<vmem>>, vector<1x1x512xf32>
    %get3A_405 = vector.shape_cast %get3A_404 : vector<1x1x512xf32> to vector<512xf32>
    %broadcast_in_dim3A_406 = vector.shape_cast %get3A_405 : vector<512xf32> to vector<512x1xf32>
    %sub3A_407 = vector.broadcast %broadcast_in_dim3A_406 : vector<512x1xf32> to vector<512x128xf32>
    %sub3A_408 = arith.subf %transpose3A_400, %sub3A_407 : vector<512x128xf32>
    %swap3A_409 = arith.constant 20 : index
    %swap3A_410 = arith.constant 0 : index
    %swap3A_411 = arith.constant 0 : index
    %swap3A_412 = vector.load %arg4[%swap3A_409, %swap3A_410, %swap3A_411] : memref<32x512x128xf32, #tpu.memory_space<vmem>>, vector<1x512x128xf32>
    %swap3A_413 = vector.shape_cast %swap3A_412 : vector<1x512x128xf32> to vector<512x128xf32>
    %swap3A_414 = vector.shape_cast %sub3A_408 : vector<512x128xf32> to vector<1x512x128xf32>
    tpu.vector_store %arg4[%swap3A_409, %swap3A_410, %swap3A_411], %swap3A_414 {strides = array<i32>} : memref<32x512x128xf32, #tpu.memory_space<vmem>>, vector<1x512x128xf32>,
    %get3A_415 = arith.constant 21 : index
    %get3A_416 = arith.constant 0 : index
    %get3A_417 = arith.constant 0 : index
    %get3A_418 = vector.load %arg0[%get3A_415, %get3A_416, %get3A_417] : memref<32x128x512xf32, #tpu.memory_space<vmem>>, vector<1x128x512xf32>
    %get3A_419 = vector.shape_cast %get3A_418 : vector<1x128x512xf32> to vector<128x512xf32>
    %transpose3A_420 = tpu.transpose %get3A_419, [1, 0] : vector<128x512xf32> -> vector<512x128xf32>
    %get3A_421 = arith.constant 21 : index
    %get3A_422 = arith.constant 0 : index
    %get3A_423 = arith.constant 0 : index
    %get3A_424 = vector.load %arg1[%get3A_421, %get3A_422, %get3A_423] : memref<32x1x512xf32, #tpu.memory_space<vmem>>, vector<1x1x512xf32>
    %get3A_425 = vector.shape_cast %get3A_424 : vector<1x1x512xf32> to vector<512xf32>
    %broadcast_in_dim3A_426 = vector.shape_cast %get3A_425 : vector<512xf32> to vector<512x1xf32>
    %sub3A_427 = vector.broadcast %broadcast_in_dim3A_426 : vector<512x1xf32> to vector<512x128xf32>
    %sub3A_428 = arith.subf %transpose3A_420, %sub3A_427 : vector<512x128xf32>
    %swap3A_429 = arith.constant 21 : index
    %swap3A_430 = arith.constant 0 : index
    %swap3A_431 = arith.constant 0 : index
    %swap3A_432 = vector.load %arg4[%swap3A_429, %swap3A_430, %swap3A_431] : memref<32x512x128xf32, #tpu.memory_space<vmem>>, vector<1x512x128xf32>
    %swap3A_433 = vector.shape_cast %swap3A_432 : vector<1x512x128xf32> to vector<512x128xf32>
    %swap3A_434 = vector.shape_cast %sub3A_428 : vector<512x128xf32> to vector<1x512x128xf32>
    tpu.vector_store %arg4[%swap3A_429, %swap3A_430, %swap3A_431], %swap3A_434 {strides = array<i32>} : memref<32x512x128xf32, #tpu.memory_space<vmem>>, vector<1x512x128xf32>,
    %get3A_435 = arith.constant 22 : index
    %get3A_436 = arith.constant 0 : index
    %get3A_437 = arith.constant 0 : index
    %get3A_438 = vector.load %arg0[%get3A_435, %get3A_436, %get3A_437] : memref<32x128x512xf32, #tpu.memory_space<vmem>>, vector<1x128x512xf32>
    %get3A_439 = vector.shape_cast %get3A_438 : vector<1x128x512xf32> to vector<128x512xf32>
    %transpose3A_440 = tpu.transpose %get3A_439, [1, 0] : vector<128x512xf32> -> vector<512x128xf32>
    %get3A_441 = arith.constant 22 : index
    %get3A_442 = arith.constant 0 : index
    %get3A_443 = arith.constant 0 : index
    %get3A_444 = vector.load %arg1[%get3A_441, %get3A_442, %get3A_443] : memref<32x1x512xf32, #tpu.memory_space<vmem>>, vector<1x1x512xf32>
    %get3A_445 = vector.shape_cast %get3A_444 : vector<1x1x512xf32> to vector<512xf32>
    %broadcast_in_dim3A_446 = vector.shape_cast %get3A_445 : vector<512xf32> to vector<512x1xf32>
    %sub3A_447 = vector.broadcast %broadcast_in_dim3A_446 : vector<512x1xf32> to vector<512x128xf32>
    %sub3A_448 = arith.subf %transpose3A_440, %sub3A_447 : vector<512x128xf32>
    %swap3A_449 = arith.constant 22 : index
    %swap3A_450 = arith.constant 0 : index
    %swap3A_451 = arith.constant 0 : index
    %swap3A_452 = vector.load %arg4[%swap3A_449, %swap3A_450, %swap3A_451] : memref<32x512x128xf32, #tpu.memory_space<vmem>>, vector<1x512x128xf32>
    %swap3A_453 = vector.shape_cast %swap3A_452 : vector<1x512x128xf32> to vector<512x128xf32>
    %swap3A_454 = vector.shape_cast %sub3A_448 : vector<512x128xf32> to vector<1x512x128xf32>
    tpu.vector_store %arg4[%swap3A_449, %swap3A_450, %swap3A_451], %swap3A_454 {strides = array<i32>} : memref<32x512x128xf32, #tpu.memory_space<vmem>>, vector<1x512x128xf32>,
    %get3A_455 = arith.constant 23 : index
    %get3A_456 = arith.constant 0 : index
    %get3A_457 = arith.constant 0 : index
    %get3A_458 = vector.load %arg0[%get3A_455, %get3A_456, %get3A_457] : memref<32x128x512xf32, #tpu.memory_space<vmem>>, vector<1x128x512xf32>
    %get3A_459 = vector.shape_cast %get3A_458 : vector<1x128x512xf32> to vector<128x512xf32>
    %transpose3A_460 = tpu.transpose %get3A_459, [1, 0] : vector<128x512xf32> -> vector<512x128xf32>
    %get3A_461 = arith.constant 23 : index
    %get3A_462 = arith.constant 0 : index
    %get3A_463 = arith.constant 0 : index
    %get3A_464 = vector.load %arg1[%get3A_461, %get3A_462, %get3A_463] : memref<32x1x512xf32, #tpu.memory_space<vmem>>, vector<1x1x512xf32>
    %get3A_465 = vector.shape_cast %get3A_464 : vector<1x1x512xf32> to vector<512xf32>
    %broadcast_in_dim3A_466 = vector.shape_cast %get3A_465 : vector<512xf32> to vector<512x1xf32>
    %sub3A_467 = vector.broadcast %broadcast_in_dim3A_466 : vector<512x1xf32> to vector<512x128xf32>
    %sub3A_468 = arith.subf %transpose3A_460, %sub3A_467 : vector<512x128xf32>
    %swap3A_469 = arith.constant 23 : index
    %swap3A_470 = arith.constant 0 : index
    %swap3A_471 = arith.constant 0 : index
    %swap3A_472 = vector.load %arg4[%swap3A_469, %swap3A_470, %swap3A_471] : memref<32x512x128xf32, #tpu.memory_space<vmem>>, vector<1x512x128xf32>
    %swap3A_473 = vector.shape_cast %swap3A_472 : vector<1x512x128xf32> to vector<512x128xf32>
    %swap3A_474 = vector.shape_cast %sub3A_468 : vector<512x128xf32> to vector<1x512x128xf32>
    tpu.vector_store %arg4[%swap3A_469, %swap3A_470, %swap3A_471], %swap3A_474 {strides = array<i32>} : memref<32x512x128xf32, #tpu.memory_space<vmem>>, vector<1x512x128xf32>,
    %get3A_475 = arith.constant 24 : index
    %get3A_476 = arith.constant 0 : index
    %get3A_477 = arith.constant 0 : index
    %get3A_478 = vector.load %arg0[%get3A_475, %get3A_476, %get3A_477] : memref<32x128x512xf32, #tpu.memory_space<vmem>>, vector<1x128x512xf32>
    %get3A_479 = vector.shape_cast %get3A_478 : vector<1x128x512xf32> to vector<128x512xf32>
    %transpose3A_480 = tpu.transpose %get3A_479, [1, 0] : vector<128x512xf32> -> vector<512x128xf32>
    %get3A_481 = arith.constant 24 : index
    %get3A_482 = arith.constant 0 : index
    %get3A_483 = arith.constant 0 : index
    %get3A_484 = vector.load %arg1[%get3A_481, %get3A_482, %get3A_483] : memref<32x1x512xf32, #tpu.memory_space<vmem>>, vector<1x1x512xf32>
    %get3A_485 = vector.shape_cast %get3A_484 : vector<1x1x512xf32> to vector<512xf32>
    %broadcast_in_dim3A_486 = vector.shape_cast %get3A_485 : vector<512xf32> to vector<512x1xf32>
    %sub3A_487 = vector.broadcast %broadcast_in_dim3A_486 : vector<512x1xf32> to vector<512x128xf32>
    %sub3A_488 = arith.subf %transpose3A_480, %sub3A_487 : vector<512x128xf32>
    %swap3A_489 = arith.constant 24 : index
    %swap3A_490 = arith.constant 0 : index
    %swap3A_491 = arith.constant 0 : index
    %swap3A_492 = vector.load %arg4[%swap3A_489, %swap3A_490, %swap3A_491] : memref<32x512x128xf32, #tpu.memory_space<vmem>>, vector<1x512x128xf32>
    %swap3A_493 = vector.shape_cast %swap3A_492 : vector<1x512x128xf32> to vector<512x128xf32>
    %swap3A_494 = vector.shape_cast %sub3A_488 : vector<512x128xf32> to vector<1x512x128xf32>
    tpu.vector_store %arg4[%swap3A_489, %swap3A_490, %swap3A_491], %swap3A_494 {strides = array<i32>} : memref<32x512x128xf32, #tpu.memory_space<vmem>>, vector<1x512x128xf32>,
    %get3A_495 = arith.constant 25 : index
    %get3A_496 = arith.constant 0 : index
    %get3A_497 = arith.constant 0 : index
    %get3A_498 = vector.load %arg0[%get3A_495, %get3A_496, %get3A_497] : memref<32x128x512xf32, #tpu.memory_space<vmem>>, vector<1x128x512xf32>
    %get3A_499 = vector.shape_cast %get3A_498 : vector<1x128x512xf32> to vector<128x512xf32>
    %transpose3A_500 = tpu.transpose %get3A_499, [1, 0] : vector<128x512xf32> -> vector<512x128xf32>
    %get3A_501 = arith.constant 25 : index
    %get3A_502 = arith.constant 0 : index
    %get3A_503 = arith.constant 0 : index
    %get3A_504 = vector.load %arg1[%get3A_501, %get3A_502, %get3A_503] : memref<32x1x512xf32, #tpu.memory_space<vmem>>, vector<1x1x512xf32>
    %get3A_505 = vector.shape_cast %get3A_504 : vector<1x1x512xf32> to vector<512xf32>
    %broadcast_in_dim3A_506 = vector.shape_cast %get3A_505 : vector<512xf32> to vector<512x1xf32>
    %sub3A_507 = vector.broadcast %broadcast_in_dim3A_506 : vector<512x1xf32> to vector<512x128xf32>
    %sub3A_508 = arith.subf %transpose3A_500, %sub3A_507 : vector<512x128xf32>
    %swap3A_509 = arith.constant 25 : index
    %swap3A_510 = arith.constant 0 : index
    %swap3A_511 = arith.constant 0 : index
    %swap3A_512 = vector.load %arg4[%swap3A_509, %swap3A_510, %swap3A_511] : memref<32x512x128xf32, #tpu.memory_space<vmem>>, vector<1x512x128xf32>
    %swap3A_513 = vector.shape_cast %swap3A_512 : vector<1x512x128xf32> to vector<512x128xf32>
    %swap3A_514 = vector.shape_cast %sub3A_508 : vector<512x128xf32> to vector<1x512x128xf32>
    tpu.vector_store %arg4[%swap3A_509, %swap3A_510, %swap3A_511], %swap3A_514 {strides = array<i32>} : memref<32x512x128xf32, #tpu.memory_space<vmem>>, vector<1x512x128xf32>,
    %get3A_515 = arith.constant 26 : index
    %get3A_516 = arith.constant 0 : index
    %get3A_517 = arith.constant 0 : index
    %get3A_518 = vector.load %arg0[%get3A_515, %get3A_516, %get3A_517] : memref<32x128x512xf32, #tpu.memory_space<vmem>>, vector<1x128x512xf32>
    %get3A_519 = vector.shape_cast %get3A_518 : vector<1x128x512xf32> to vector<128x512xf32>
    %transpose3A_520 = tpu.transpose %get3A_519, [1, 0] : vector<128x512xf32> -> vector<512x128xf32>
    %get3A_521 = arith.constant 26 : index
    %get3A_522 = arith.constant 0 : index
    %get3A_523 = arith.constant 0 : index
    %get3A_524 = vector.load %arg1[%get3A_521, %get3A_522, %get3A_523] : memref<32x1x512xf32, #tpu.memory_space<vmem>>, vector<1x1x512xf32>
    %get3A_525 = vector.shape_cast %get3A_524 : vector<1x1x512xf32> to vector<512xf32>
    %broadcast_in_dim3A_526 = vector.shape_cast %get3A_525 : vector<512xf32> to vector<512x1xf32>
    %sub3A_527 = vector.broadcast %broadcast_in_dim3A_526 : vector<512x1xf32> to vector<512x128xf32>
    %sub3A_528 = arith.subf %transpose3A_520, %sub3A_527 : vector<512x128xf32>
    %swap3A_529 = arith.constant 26 : index
    %swap3A_530 = arith.constant 0 : index
    %swap3A_531 = arith.constant 0 : index
    %swap3A_532 = vector.load %arg4[%swap3A_529, %swap3A_530, %swap3A_531] : memref<32x512x128xf32, #tpu.memory_space<vmem>>, vector<1x512x128xf32>
    %swap3A_533 = vector.shape_cast %swap3A_532 : vector<1x512x128xf32> to vector<512x128xf32>
    %swap3A_534 = vector.shape_cast %sub3A_528 : vector<512x128xf32> to vector<1x512x128xf32>
    tpu.vector_store %arg4[%swap3A_529, %swap3A_530, %swap3A_531], %swap3A_534 {strides = array<i32>} : memref<32x512x128xf32, #tpu.memory_space<vmem>>, vector<1x512x128xf32>,
    %get3A_535 = arith.constant 27 : index
    %get3A_536 = arith.constant 0 : index
    %get3A_537 = arith.constant 0 : index
    %get3A_538 = vector.load %arg0[%get3A_535, %get3A_536, %get3A_537] : memref<32x128x512xf32, #tpu.memory_space<vmem>>, vector<1x128x512xf32>
    %get3A_539 = vector.shape_cast %get3A_538 : vector<1x128x512xf32> to vector<128x512xf32>
    %transpose3A_540 = tpu.transpose %get3A_539, [1, 0] : vector<128x512xf32> -> vector<512x128xf32>
    %get3A_541 = arith.constant 27 : index
    %get3A_542 = arith.constant 0 : index
    %get3A_543 = arith.constant 0 : index
    %get3A_544 = vector.load %arg1[%get3A_541, %get3A_542, %get3A_543] : memref<32x1x512xf32, #tpu.memory_space<vmem>>, vector<1x1x512xf32>
    %get3A_545 = vector.shape_cast %get3A_544 : vector<1x1x512xf32> to vector<512xf32>
    %broadcast_in_dim3A_546 = vector.shape_cast %get3A_545 : vector<512xf32> to vector<512x1xf32>
    %sub3A_547 = vector.broadcast %broadcast_in_dim3A_546 : vector<512x1xf32> to vector<512x128xf32>
    %sub3A_548 = arith.subf %transpose3A_540, %sub3A_547 : vector<512x128xf32>
    %swap3A_549 = arith.constant 27 : index
    %swap3A_550 = arith.constant 0 : index
    %swap3A_551 = arith.constant 0 : index
    %swap3A_552 = vector.load %arg4[%swap3A_549, %swap3A_550, %swap3A_551] : memref<32x512x128xf32, #tpu.memory_space<vmem>>, vector<1x512x128xf32>
    %swap3A_553 = vector.shape_cast %swap3A_552 : vector<1x512x128xf32> to vector<512x128xf32>
    %swap3A_554 = vector.shape_cast %sub3A_548 : vector<512x128xf32> to vector<1x512x128xf32>
    tpu.vector_store %arg4[%swap3A_549, %swap3A_550, %swap3A_551], %swap3A_554 {strides = array<i32>} : memref<32x512x128xf32, #tpu.memory_space<vmem>>, vector<1x512x128xf32>,
    %get3A_555 = arith.constant 28 : index
    %get3A_556 = arith.constant 0 : index
    %get3A_557 = arith.constant 0 : index
    %get3A_558 = vector.load %arg0[%get3A_555, %get3A_556, %get3A_557] : memref<32x128x512xf32, #tpu.memory_space<vmem>>, vector<1x128x512xf32>
    %get3A_559 = vector.shape_cast %get3A_558 : vector<1x128x512xf32> to vector<128x512xf32>
    %transpose3A_560 = tpu.transpose %get3A_559, [1, 0] : vector<128x512xf32> -> vector<512x128xf32>
    %get3A_561 = arith.constant 28 : index
    %get3A_562 = arith.constant 0 : index
    %get3A_563 = arith.constant 0 : index
    %get3A_564 = vector.load %arg1[%get3A_561, %get3A_562, %get3A_563] : memref<32x1x512xf32, #tpu.memory_space<vmem>>, vector<1x1x512xf32>
    %get3A_565 = vector.shape_cast %get3A_564 : vector<1x1x512xf32> to vector<512xf32>
    %broadcast_in_dim3A_566 = vector.shape_cast %get3A_565 : vector<512xf32> to vector<512x1xf32>
    %sub3A_567 = vector.broadcast %broadcast_in_dim3A_566 : vector<512x1xf32> to vector<512x128xf32>
    %sub3A_568 = arith.subf %transpose3A_560, %sub3A_567 : vector<512x128xf32>
    %swap3A_569 = arith.constant 28 : index
    %swap3A_570 = arith.constant 0 : index
    %swap3A_571 = arith.constant 0 : index
    %swap3A_572 = vector.load %arg4[%swap3A_569, %swap3A_570, %swap3A_571] : memref<32x512x128xf32, #tpu.memory_space<vmem>>, vector<1x512x128xf32>
    %swap3A_573 = vector.shape_cast %swap3A_572 : vector<1x512x128xf32> to vector<512x128xf32>
    %swap3A_574 = vector.shape_cast %sub3A_568 : vector<512x128xf32> to vector<1x512x128xf32>
    tpu.vector_store %arg4[%swap3A_569, %swap3A_570, %swap3A_571], %swap3A_574 {strides = array<i32>} : memref<32x512x128xf32, #tpu.memory_space<vmem>>, vector<1x512x128xf32>,
    %get3A_575 = arith.constant 29 : index
    %get3A_576 = arith.constant 0 : index
    %get3A_577 = arith.constant 0 : index
    %get3A_578 = vector.load %arg0[%get3A_575, %get3A_576, %get3A_577] : memref<32x128x512xf32, #tpu.memory_space<vmem>>, vector<1x128x512xf32>
    %get3A_579 = vector.shape_cast %get3A_578 : vector<1x128x512xf32> to vector<128x512xf32>
    %transpose3A_580 = tpu.transpose %get3A_579, [1, 0] : vector<128x512xf32> -> vector<512x128xf32>
    %get3A_581 = arith.constant 29 : index
    %get3A_582 = arith.constant 0 : index
    %get3A_583 = arith.constant 0 : index
    %get3A_584 = vector.load %arg1[%get3A_581, %get3A_582, %get3A_583] : memref<32x1x512xf32, #tpu.memory_space<vmem>>, vector<1x1x512xf32>
    %get3A_585 = vector.shape_cast %get3A_584 : vector<1x1x512xf32> to vector<512xf32>
    %broadcast_in_dim3A_586 = vector.shape_cast %get3A_585 : vector<512xf32> to vector<512x1xf32>
    %sub3A_587 = vector.broadcast %broadcast_in_dim3A_586 : vector<512x1xf32> to vector<512x128xf32>
    %sub3A_588 = arith.subf %transpose3A_580, %sub3A_587 : vector<512x128xf32>
    %swap3A_589 = arith.constant 29 : index
    %swap3A_590 = arith.constant 0 : index
    %swap3A_591 = arith.constant 0 : index
    %swap3A_592 = vector.load %arg4[%swap3A_589, %swap3A_590, %swap3A_591] : memref<32x512x128xf32, #tpu.memory_space<vmem>>, vector<1x512x128xf32>
    %swap3A_593 = vector.shape_cast %swap3A_592 : vector<1x512x128xf32> to vector<512x128xf32>
    %swap3A_594 = vector.shape_cast %sub3A_588 : vector<512x128xf32> to vector<1x512x128xf32>
    tpu.vector_store %arg4[%swap3A_589, %swap3A_590, %swap3A_591], %swap3A_594 {strides = array<i32>} : memref<32x512x128xf32, #tpu.memory_space<vmem>>, vector<1x512x128xf32>,
    %get3A_595 = arith.constant 30 : index
    %get3A_596 = arith.constant 0 : index
    %get3A_597 = arith.constant 0 : index
    %get3A_598 = vector.load %arg0[%get3A_595, %get3A_596, %get3A_597] : memref<32x128x512xf32, #tpu.memory_space<vmem>>, vector<1x128x512xf32>
    %get3A_599 = vector.shape_cast %get3A_598 : vector<1x128x512xf32> to vector<128x512xf32>
    %transpose3A_600 = tpu.transpose %get3A_599, [1, 0] : vector<128x512xf32> -> vector<512x128xf32>
    %get3A_601 = arith.constant 30 : index
    %get3A_602 = arith.constant 0 : index
    %get3A_603 = arith.constant 0 : index
    %get3A_604 = vector.load %arg1[%get3A_601, %get3A_602, %get3A_603] : memref<32x1x512xf32, #tpu.memory_space<vmem>>, vector<1x1x512xf32>
    %get3A_605 = vector.shape_cast %get3A_604 : vector<1x1x512xf32> to vector<512xf32>
    %broadcast_in_dim3A_606 = vector.shape_cast %get3A_605 : vector<512xf32> to vector<512x1xf32>
    %sub3A_607 = vector.broadcast %broadcast_in_dim3A_606 : vector<512x1xf32> to vector<512x128xf32>
    %sub3A_608 = arith.subf %transpose3A_600, %sub3A_607 : vector<512x128xf32>
    %swap3A_609 = arith.constant 30 : index
    %swap3A_610 = arith.constant 0 : index
    %swap3A_611 = arith.constant 0 : index
    %swap3A_612 = vector.load %arg4[%swap3A_609, %swap3A_610, %swap3A_611] : memref<32x512x128xf32, #tpu.memory_space<vmem>>, vector<1x512x128xf32>
    %swap3A_613 = vector.shape_cast %swap3A_612 : vector<1x512x128xf32> to vector<512x128xf32>
    %swap3A_614 = vector.shape_cast %sub3A_608 : vector<512x128xf32> to vector<1x512x128xf32>
    tpu.vector_store %arg4[%swap3A_609, %swap3A_610, %swap3A_611], %swap3A_614 {strides = array<i32>} : memref<32x512x128xf32, #tpu.memory_space<vmem>>, vector<1x512x128xf32>,
    %get3A_615 = arith.constant 31 : index
    %get3A_616 = arith.constant 0 : index
    %get3A_617 = arith.constant 0 : index
    %get3A_618 = vector.load %arg0[%get3A_615, %get3A_616, %get3A_617] : memref<32x128x512xf32, #tpu.memory_space<vmem>>, vector<1x128x512xf32>
    %get3A_619 = vector.shape_cast %get3A_618 : vector<1x128x512xf32> to vector<128x512xf32>
    %transpose3A_620 = tpu.transpose %get3A_619, [1, 0] : vector<128x512xf32> -> vector<512x128xf32>
    %get3A_621 = arith.constant 31 : index
    %get3A_622 = arith.constant 0 : index
    %get3A_623 = arith.constant 0 : index
    %get3A_624 = vector.load %arg1[%get3A_621, %get3A_622, %get3A_623] : memref<32x1x512xf32, #tpu.memory_space<vmem>>, vector<1x1x512xf32>
    %get3A_625 = vector.shape_cast %get3A_624 : vector<1x1x512xf32> to vector<512xf32>
    %broadcast_in_dim3A_626 = vector.shape_cast %get3A_625 : vector<512xf32> to vector<512x1xf32>
    %sub3A_627 = vector.broadcast %broadcast_in_dim3A_626 : vector<512x1xf32> to vector<512x128xf32>
    %sub3A_628 = arith.subf %transpose3A_620, %sub3A_627 : vector<512x128xf32>
    %swap3A_629 = arith.constant 31 : index
    %swap3A_630 = arith.constant 0 : index
    %swap3A_631 = arith.constant 0 : index
    %swap3A_632 = vector.load %arg4[%swap3A_629, %swap3A_630, %swap3A_631] : memref<32x512x128xf32, #tpu.memory_space<vmem>>, vector<1x512x128xf32>
    %swap3A_633 = vector.shape_cast %swap3A_632 : vector<1x512x128xf32> to vector<512x128xf32>
    %swap3A_634 = vector.shape_cast %sub3A_628 : vector<512x128xf32> to vector<1x512x128xf32>
    tpu.vector_store %arg4[%swap3A_629, %swap3A_630, %swap3A_631], %swap3A_634 {strides = array<i32>} : memref<32x512x128xf32, #tpu.memory_space<vmem>>, vector<1x512x128xf32>,
    %get3A_635 = arith.constant 0 : index
    %get3A_636 = arith.constant 0 : index
    %get3A_637 = vector.load %arg2[%get3A_635, %get3A_636] : memref<32x128xi32, #tpu.memory_space<vmem>>, vector<32x128xi32>
    %iota3A = tpu.iota {dimensions = array<i32: 1>} : vector<32x128xi32>
    %ge3A = arith.constant 1 : i32
    %ge3A_638 = vector.broadcast %ge3A : i32 to vector<32x128xi32>
    %ge3A_639 = arith.cmpi sge, %iota3A, %ge3A_638 : vector<32x128xi32>
    %ge3A_640 = arith.constant 2 : i32
    %ge3A_641 = vector.broadcast %ge3A_640 : i32 to vector<32x128xi32>
    %ge3A_642 = arith.cmpi sge, %iota3A, %ge3A_641 : vector<32x128xi32>
    %slice3A = vector.extract_strided_slice %get3A_637 {offsets = [0, 126], sizes = [32, 2], strides = [1, 1]} : vector<32x128xi32> to vector<32x2xi32>
    %slice3A_643 = vector.extract_strided_slice %get3A_637 {offsets = [0, 0], sizes = [32, 126], strides = [1, 1]} : vector<32x128xi32> to vector<32x126xi32>
    %concatenate3A = tpu.concatenate %slice3A, %slice3A_643 in 1 : vector<32x2xi32>, vector<32x126xi32> -> vector<32x128xi32>
    %ne3A = arith.cmpi ne, %concatenate3A, %get3A_637 : vector<32x128xi32>
    %and3A = arith.andi %ge3A_642, %ne3A : vector<32x128xi1>
    %le3A = arith.constant 99 : i32
    %le3A_644 = vector.broadcast %le3A : i32 to vector<32x128xi32>
    %le3A_645 = arith.cmpi sle, %iota3A, %le3A_644 : vector<32x128xi32>
    %le3A_646 = arith.constant 98 : i32
    %le3A_647 = vector.broadcast %le3A_646 : i32 to vector<32x128xi32>
    %le3A_648 = arith.cmpi sle, %iota3A, %le3A_647 : vector<32x128xi32>
    %slice3A_649 = vector.extract_strided_slice %get3A_637 {offsets = [0, 2], sizes = [32, 126], strides = [1, 1]} : vector<32x128xi32> to vector<32x126xi32>
    %slice3A_650 = vector.extract_strided_slice %get3A_637 {offsets = [0, 0], sizes = [32, 2], strides = [1, 1]} : vector<32x128xi32> to vector<32x2xi32>
    %concatenate3A_651 = tpu.concatenate %slice3A_649, %slice3A_650 in 1 : vector<32x126xi32>, vector<32x2xi32> -> vector<32x128xi32>
    %ne3A_652 = arith.cmpi ne, %concatenate3A_651, %get3A_637 : vector<32x128xi32>
    %and3A_653 = arith.andi %le3A_648, %ne3A_652 : vector<32x128xi1>
    %eq3A = arith.constant 0 : i32
    %eq3A_654 = vector.broadcast %eq3A : i32 to vector<32x128xi32>
    %eq3A_655 = arith.cmpi eq, %iota3A, %eq3A_654 : vector<32x128xi32>
    %jit3A = arith.constant 0.000000e+00 : f32
    %jit3A_656 = arith.constant -1.000000e+10 : f32
    %broadcast_in_dim3A_657 = vector.broadcast %jit3A : f32 to vector<32x128xf32>
    %broadcast_in_dim3A_658 = vector.broadcast %jit3A_656 : f32 to vector<32x128xf32>
    %select_n3A = arith.select %eq3A_655, %broadcast_in_dim3A_657, %broadcast_in_dim3A_658 : vector<32x128xi1>, vector<32x128xf32>
    %eq3A_659 = arith.constant 100 : i32
    %eq3A_660 = vector.broadcast %eq3A_659 : i32 to vector<32x128xi32>
    %eq3A_661 = arith.cmpi eq, %iota3A, %eq3A_660 : vector<32x128xi32>
    %eq3A_662 = arith.constant 99 : i32
    %eq3A_663 = vector.broadcast %eq3A_662 : i32 to vector<32x128xi32>
    %eq3A_664 = arith.cmpi eq, %iota3A, %eq3A_663 : vector<32x128xi32>
    %or3A = arith.ori %eq3A_661, %eq3A_664 : vector<32x128xi1>
    %jit3A_665 = arith.constant 0.000000e+00 : f32
    %jit3A_666 = arith.constant -1.000000e+10 : f32
    %broadcast_in_dim3A_667 = vector.broadcast %jit3A_665 : f32 to vector<32x128xf32>
    %broadcast_in_dim3A_668 = vector.broadcast %jit3A_666 : f32 to vector<32x128xf32>
    %select_n3A_669 = arith.select %or3A, %broadcast_in_dim3A_667, %broadcast_in_dim3A_668 : vector<32x128xi1>, vector<32x128xf32>
    %slice3A_670 = vector.extract_strided_slice %select_n3A {offsets = [0, 127], sizes = [32, 1], strides = [1, 1]} : vector<32x128xf32> to vector<32x1xf32>
    %slice3A_671 = vector.extract_strided_slice %select_n3A {offsets = [0, 0], sizes = [32, 127], strides = [1, 1]} : vector<32x128xf32> to vector<32x127xf32>
    %concatenate3A_672 = tpu.concatenate %slice3A_670, %slice3A_671 in 1 : vector<32x1xf32>, vector<32x127xf32> -> vector<32x128xf32>
    %jit3A_673 = arith.constant -1.000000e+10 : f32
    %broadcast_in_dim3A_674 = vector.broadcast %jit3A_673 : f32 to vector<32x128xf32>
    %select_n3A_675 = arith.select %ge3A_639, %concatenate3A_672, %broadcast_in_dim3A_674 : vector<32x128xi1>, vector<32x128xf32>
    %slice3A_676 = vector.extract_strided_slice %select_n3A {offsets = [0, 126], sizes = [32, 2], strides = [1, 1]} : vector<32x128xf32> to vector<32x2xf32>
    %slice3A_677 = vector.extract_strided_slice %select_n3A {offsets = [0, 0], sizes = [32, 126], strides = [1, 1]} : vector<32x128xf32> to vector<32x126xf32>
    %concatenate3A_678 = tpu.concatenate %slice3A_676, %slice3A_677 in 1 : vector<32x2xf32>, vector<32x126xf32> -> vector<32x128xf32>
    %jit3A_679 = arith.constant -1.000000e+10 : f32
    %broadcast_in_dim3A_680 = vector.broadcast %jit3A_679 : f32 to vector<32x128xf32>
    %select_n3A_681 = arith.select %and3A, %concatenate3A_678, %broadcast_in_dim3A_680 : vector<32x128xi1>, vector<32x128xf32>
    %max3A = arith.maximumf %select_n3A_675, %select_n3A_681 : vector<32x128xf32>
    %max3A_682 = arith.maximumf %select_n3A, %max3A : vector<32x128xf32>
    %sub3A_683 = arith.subf %select_n3A, %max3A_682 : vector<32x128xf32>
    %exp3A = math.exp %sub3A_683 : vector<32x128xf32>
    %sub3A_684 = arith.subf %select_n3A_675, %max3A_682 : vector<32x128xf32>
    %exp3A_685 = math.exp %sub3A_684 : vector<32x128xf32>
    %add3A = arith.addf %exp3A, %exp3A_685 : vector<32x128xf32>
    %sub3A_686 = arith.subf %select_n3A_681, %max3A_682 : vector<32x128xf32>
    %exp3A_687 = math.exp %sub3A_686 : vector<32x128xf32>
    %add3A_688 = arith.addf %add3A, %exp3A_687 : vector<32x128xf32>
    %log3A = math.log %add3A_688 : vector<32x128xf32>
    %add3A_689 = arith.addf %max3A_682, %log3A : vector<32x128xf32>
    %get3A_690 = arith.constant 0 : index
    %get3A_691 = arith.constant 0 : index
    %get3A_692 = arith.constant 0 : index
    %get3A_693 = vector.load %arg4[%get3A_690, %get3A_691, %get3A_692] : memref<32x512x128xf32, #tpu.memory_space<vmem>>, vector<32x1x128xf32>
    %get3A_694 = vector.shape_cast %get3A_693 : vector<32x1x128xf32> to vector<32x128xf32>
    %add3A_695 = arith.addf %add3A_689, %get3A_694 : vector<32x128xf32>
    %get3A_696 = arith.constant 0 : index
    %get3A_697 = arith.constant 511 : index
    %get3A_698 = arith.constant 0 : index
    %get3A_699 = vector.load %arg4[%get3A_696, %get3A_697, %get3A_698] : memref<32x512x128xf32, #tpu.memory_space<vmem>>, vector<32x1x128xf32>
    %get3A_700 = vector.shape_cast %get3A_699 : vector<32x1x128xf32> to vector<32x128xf32>
    %add3A_701 = arith.addf %select_n3A_669, %get3A_700 : vector<32x128xf32>
    %scan3A = arith.constant 1 : i32
    %scan3A_702 = arith.constant 255 : i32
    %scan3A_703 = arith.addi %scan3A, %scan3A_702 : i32
    %scan3A_704 = arith.constant 1 : i32
    %scan3A_705:2 = scf.for %scan3A_754 = %scan3A to %scan3A_703 step %scan3A_704 iter_args(%scan3A_755 = %add3A_695, %scan3A_756 = %add3A_701) -> (vector<32x128xf32>, vector<32x128xf32>)  : i32 {
      %slice3A_757 = vector.extract_strided_slice %scan3A_755 {offsets = [0, 127], sizes = [32, 1], strides = [1, 1]} : vector<32x128xf32> to vector<32x1xf32>
      %slice3A_758 = vector.extract_strided_slice %scan3A_755 {offsets = [0, 0], sizes = [32, 127], strides = [1, 1]} : vector<32x128xf32> to vector<32x127xf32>
      %concatenate3A_759 = tpu.concatenate %slice3A_757, %slice3A_758 in 1 : vector<32x1xf32>, vector<32x127xf32> -> vector<32x128xf32>
      %jit3A_760 = arith.constant -1.000000e+10 : f32
      %broadcast_in_dim3A_761 = vector.broadcast %jit3A_760 : f32 to vector<32x128xf32>
      %select_n3A_762 = arith.select %ge3A_639, %concatenate3A_759, %broadcast_in_dim3A_761 : vector<32x128xi1>, vector<32x128xf32>
      %slice3A_763 = vector.extract_strided_slice %scan3A_755 {offsets = [0, 126], sizes = [32, 2], strides = [1, 1]} : vector<32x128xf32> to vector<32x2xf32>
      %slice3A_764 = vector.extract_strided_slice %scan3A_755 {offsets = [0, 0], sizes = [32, 126], strides = [1, 1]} : vector<32x128xf32> to vector<32x126xf32>
      %concatenate3A_765 = tpu.concatenate %slice3A_763, %slice3A_764 in 1 : vector<32x2xf32>, vector<32x126xf32> -> vector<32x128xf32>
      %jit3A_766 = arith.constant -1.000000e+10 : f32
      %broadcast_in_dim3A_767 = vector.broadcast %jit3A_766 : f32 to vector<32x128xf32>
      %select_n3A_768 = arith.select %and3A, %concatenate3A_765, %broadcast_in_dim3A_767 : vector<32x128xi1>, vector<32x128xf32>
      %max3A_769 = arith.maximumf %select_n3A_762, %select_n3A_768 : vector<32x128xf32>
      %max3A_770 = arith.maximumf %scan3A_755, %max3A_769 : vector<32x128xf32>
      %sub3A_771 = arith.subf %scan3A_755, %max3A_770 : vector<32x128xf32>
      %exp3A_772 = math.exp %sub3A_771 : vector<32x128xf32>
      %sub3A_773 = arith.subf %select_n3A_762, %max3A_770 : vector<32x128xf32>
      %exp3A_774 = math.exp %sub3A_773 : vector<32x128xf32>
      %add3A_775 = arith.addf %exp3A_772, %exp3A_774 : vector<32x128xf32>
      %sub3A_776 = arith.subf %select_n3A_768, %max3A_770 : vector<32x128xf32>
      %exp3A_777 = math.exp %sub3A_776 : vector<32x128xf32>
      %add3A_778 = arith.addf %add3A_775, %exp3A_777 : vector<32x128xf32>
      %log3A_779 = math.log %add3A_778 : vector<32x128xf32>
      %add3A_780 = arith.addf %max3A_770, %log3A_779 : vector<32x128xf32>
      %get3A_781 = arith.constant 0 : index
      %get3A_782 = arith.index_cast %scan3A_754 : i32 to index
      %get3A_783 = arith.constant 0 : index
      %get3A_784 = vector.load %arg4[%get3A_781, %get3A_782, %get3A_783] : memref<32x512x128xf32, #tpu.memory_space<vmem>>, vector<32x1x128xf32>
      %get3A_785 = vector.shape_cast %get3A_784 : vector<32x1x128xf32> to vector<32x128xf32>
      %add3A_786 = arith.addf %add3A_780, %get3A_785 : vector<32x128xf32>
      %slice3A_787 = vector.extract_strided_slice %scan3A_756 {offsets = [0, 1], sizes = [32, 127], strides = [1, 1]} : vector<32x128xf32> to vector<32x127xf32>
      %slice3A_788 = vector.extract_strided_slice %scan3A_756 {offsets = [0, 0], sizes = [32, 1], strides = [1, 1]} : vector<32x128xf32> to vector<32x1xf32>
      %concatenate3A_789 = tpu.concatenate %slice3A_787, %slice3A_788 in 1 : vector<32x127xf32>, vector<32x1xf32> -> vector<32x128xf32>
      %jit3A_790 = arith.constant -1.000000e+10 : f32
      %broadcast_in_dim3A_791 = vector.broadcast %jit3A_790 : f32 to vector<32x128xf32>
      %select_n3A_792 = arith.select %le3A_645, %concatenate3A_789, %broadcast_in_dim3A_791 : vector<32x128xi1>, vector<32x128xf32>
      %slice3A_793 = vector.extract_strided_slice %scan3A_756 {offsets = [0, 2], sizes = [32, 126], strides = [1, 1]} : vector<32x128xf32> to vector<32x126xf32>
      %slice3A_794 = vector.extract_strided_slice %scan3A_756 {offsets = [0, 0], sizes = [32, 2], strides = [1, 1]} : vector<32x128xf32> to vector<32x2xf32>
      %concatenate3A_795 = tpu.concatenate %slice3A_793, %slice3A_794 in 1 : vector<32x126xf32>, vector<32x2xf32> -> vector<32x128xf32>
      %jit3A_796 = arith.constant -1.000000e+10 : f32
      %broadcast_in_dim3A_797 = vector.broadcast %jit3A_796 : f32 to vector<32x128xf32>
      %select_n3A_798 = arith.select %and3A_653, %concatenate3A_795, %broadcast_in_dim3A_797 : vector<32x128xi1>, vector<32x128xf32>
      %max3A_799 = arith.maximumf %select_n3A_792, %select_n3A_798 : vector<32x128xf32>
      %max3A_800 = arith.maximumf %scan3A_756, %max3A_799 : vector<32x128xf32>
      %sub3A_801 = arith.subf %scan3A_756, %max3A_800 : vector<32x128xf32>
      %exp3A_802 = math.exp %sub3A_801 : vector<32x128xf32>
      %sub3A_803 = arith.subf %select_n3A_792, %max3A_800 : vector<32x128xf32>
      %exp3A_804 = math.exp %sub3A_803 : vector<32x128xf32>
      %add3A_805 = arith.addf %exp3A_802, %exp3A_804 : vector<32x128xf32>
      %sub3A_806 = arith.subf %select_n3A_798, %max3A_800 : vector<32x128xf32>
      %exp3A_807 = math.exp %sub3A_806 : vector<32x128xf32>
      %add3A_808 = arith.addf %add3A_805, %exp3A_807 : vector<32x128xf32>
      %log3A_809 = math.log %add3A_808 : vector<32x128xf32>
      %add3A_810 = arith.addf %max3A_800, %log3A_809 : vector<32x128xf32>
      %sub3A_811 = arith.constant 511 : i32
      %sub3A_812 = arith.subi %sub3A_811, %scan3A_754 : i32
      %get3A_813 = arith.constant 0 : index
      %get3A_814 = arith.index_cast %sub3A_812 : i32 to index
      %get3A_815 = arith.constant 0 : index
      %get3A_816 = vector.load %arg4[%get3A_813, %get3A_814, %get3A_815] : memref<32x512x128xf32, #tpu.memory_space<vmem>>, vector<32x1x128xf32>
      %get3A_817 = vector.shape_cast %get3A_816 : vector<32x1x128xf32> to vector<32x128xf32>
      %add3A_818 = arith.addf %add3A_810, %get3A_817 : vector<32x128xf32>
      scf.yield %add3A_786, %add3A_818 : vector<32x128xf32>, vector<32x128xf32>
    }
    %scan3A_706 = arith.constant 255 : i32
    %slice3A_707 = vector.extract_strided_slice %scan3A_705#1 {offsets = [0, 1], sizes = [32, 127], strides = [1, 1]} : vector<32x128xf32> to vector<32x127xf32>
    %slice3A_708 = vector.extract_strided_slice %scan3A_705#1 {offsets = [0, 0], sizes = [32, 1], strides = [1, 1]} : vector<32x128xf32> to vector<32x1xf32>
    %concatenate3A_709 = tpu.concatenate %slice3A_707, %slice3A_708 in 1 : vector<32x127xf32>, vector<32x1xf32> -> vector<32x128xf32>
    %jit3A_710 = arith.constant -1.000000e+10 : f32
    %broadcast_in_dim3A_711 = vector.broadcast %jit3A_710 : f32 to vector<32x128xf32>
    %select_n3A_712 = arith.select %le3A_645, %concatenate3A_709, %broadcast_in_dim3A_711 : vector<32x128xi1>, vector<32x128xf32>
    %slice3A_713 = vector.extract_strided_slice %scan3A_705#1 {offsets = [0, 2], sizes = [32, 126], strides = [1, 1]} : vector<32x128xf32> to vector<32x126xf32>
    %slice3A_714 = vector.extract_strided_slice %scan3A_705#1 {offsets = [0, 0], sizes = [32, 2], strides = [1, 1]} : vector<32x128xf32> to vector<32x2xf32>
    %concatenate3A_715 = tpu.concatenate %slice3A_713, %slice3A_714 in 1 : vector<32x126xf32>, vector<32x2xf32> -> vector<32x128xf32>
    %jit3A_716 = arith.constant -1.000000e+10 : f32
    %broadcast_in_dim3A_717 = vector.broadcast %jit3A_716 : f32 to vector<32x128xf32>
    %select_n3A_718 = arith.select %and3A_653, %concatenate3A_715, %broadcast_in_dim3A_717 : vector<32x128xi1>, vector<32x128xf32>
    %max3A_719 = arith.maximumf %select_n3A_712, %select_n3A_718 : vector<32x128xf32>
    %max3A_720 = arith.maximumf %scan3A_705#1, %max3A_719 : vector<32x128xf32>
    %sub3A_721 = arith.subf %scan3A_705#1, %max3A_720 : vector<32x128xf32>
    %exp3A_722 = math.exp %sub3A_721 : vector<32x128xf32>
    %sub3A_723 = arith.subf %select_n3A_712, %max3A_720 : vector<32x128xf32>
    %exp3A_724 = math.exp %sub3A_723 : vector<32x128xf32>
    %add3A_725 = arith.addf %exp3A_722, %exp3A_724 : vector<32x128xf32>
    %sub3A_726 = arith.subf %select_n3A_718, %max3A_720 : vector<32x128xf32>
    %exp3A_727 = math.exp %sub3A_726 : vector<32x128xf32>
    %add3A_728 = arith.addf %add3A_725, %exp3A_727 : vector<32x128xf32>
    %log3A_729 = math.log %add3A_728 : vector<32x128xf32>
    %add3A_730 = arith.addf %max3A_720, %log3A_729 : vector<32x128xf32>
    %le3A_731 = arith.constant 100 : i32
    %le3A_732 = vector.broadcast %le3A_731 : i32 to vector<32x128xi32>
    %le3A_733 = arith.cmpi sle, %iota3A, %le3A_732 : vector<32x128xi32>
    %add3A_734 = arith.addf %scan3A_705#0, %add3A_730 : vector<32x128xf32>
    %jit3A_735 = arith.constant -1.000000e+10 : f32
    %broadcast_in_dim3A_736 = vector.broadcast %jit3A_735 : f32 to vector<32x128xf32>
    %select_n3A_737 = arith.select %le3A_733, %add3A_734, %broadcast_in_dim3A_736 : vector<32x128xi1>, vector<32x128xf32>
    %reduce_max3A = arith.constant dense<0xFF800000> : vector<32xf32>
    %reduce_max3A_738 = vector.multi_reduction <maximumf>, %select_n3A_737, %reduce_max3A [1] : vector<32x128xf32> to vector<32xf32>
    %broadcast_in_dim3A_739 = vector.shape_cast %reduce_max3A_738 : vector<32xf32> to vector<32x1xf32>
    %sub3A_740 = vector.broadcast %broadcast_in_dim3A_739 : vector<32x1xf32> to vector<32x128xf32>
    %sub3A_741 = arith.subf %select_n3A_737, %sub3A_740 : vector<32x128xf32>
    %exp3A_742 = math.exp %sub3A_741 : vector<32x128xf32>
    %reduce_sum3A = arith.constant dense<0.000000e+00> : vector<32xf32>
    %reduce_sum3A_743 = vector.multi_reduction <add>, %exp3A_742, %reduce_sum3A [1] : vector<32x128xf32> to vector<32xf32>
    %broadcast_in_dim3A_744 = vector.shape_cast %reduce_sum3A_743 : vector<32xf32> to vector<32x1xf32>
    %log3A_745 = math.log %broadcast_in_dim3A_744 : vector<32x1xf32>
    %add3A_746 = arith.addf %broadcast_in_dim3A_739, %log3A_745 : vector<32x1xf32>
    %neg3A = arith.constant 0.000000e+00 : f32
    %neg3A_747 = vector.broadcast %neg3A : f32 to vector<32x1xf32>
    %neg3A_748 = arith.subf %neg3A_747, %add3A_746 : vector<32x1xf32>
    %broadcast_in_dim3A_749 = vector.shape_cast %neg3A_748 : vector<32x1xf32> to vector<32x1xf32>
    %broadcast_in_dim3A_750 = vector.broadcast %broadcast_in_dim3A_749 : vector<32x1xf32> to vector<32x128xf32>
    %swap3A_751 = arith.constant 0 : index
    %swap3A_752 = arith.constant 0 : index
    %swap3A_753 = vector.load %arg3[%swap3A_751, %swap3A_752] : memref<32x128xf32, #tpu.memory_space<vmem>>, vector<32x128xf32>
    tpu.vector_store %arg3[%swap3A_751, %swap3A_752], %broadcast_in_dim3A_750 {strides = array<i32>} : memref<32x128xf32, #tpu.memory_space<vmem>>, vector<32x128xf32>,
    return
  }
}

</mosaic_0001>

<sc_bundles>
// kernel: kernel.5.cloned.1.call-start
scs
__scs_entry_jumppad:
0x0: {  	(pc) =	sbr.rel $0x88, $3  }
0x1: {  	(tag) =	ssettag $0x0;
	lr =	simm.s32 $0x1  }
0x2: {  	[smem:$0x3F9F] =	sst lr;
	_ =	strace $0xD0000000  }
0x3: {  	_ = 	snop  }
0x4: {  	_ = 	snop  }
0x5: {  	_ = 	snop  }
0x6: {  	_ = 	snop  }
0x7: {  	_ = 	snop  }
__scs_overlays_trampoline_lowered:
0x8: {  	[smem:$0x3FAE] =	sst s0  }
0x9: {  	[smem:$0x3FAF] =	sst s1  }
0xa: {  	[smem:$0x3FB0] =	sst s2  }
0xb: {  	[smem:$0x3FB1] =	sst s3  }
0xc: {  	[smem:$0x3FB2] =	sst s4  }
0xd: {  	[smem:$0x3FB3] =	sst s5  }
0xe: {  	[smem:$0x3FB4] =	sst s6  }
0xf: {  	[smem:$0x3FB5] =	sst s7  }
0x10: {  	[smem:$0x3FB6] =	sst s8  }
0x11: {  	[smem:$0x3FB7] =	sst s9;
	s0 =	simm.s32 @!p0 $0x0  }
0x12: {  	s1 =	sld [smem:$0x3F9D];
	s0 =	simm.s32 @p0 $0x1  }
0x13: {  	[smem:$0x3FB8] =	sst s0;
	s0 =	simm.s32 @!p1 $0x0  }
0x14: {  	s2 =	sld [smem:$0x3F9C];
	s0 =	simm.s32 @p1 $0x1  }
0x15: {  	[smem:$0x3FB9] =	sst s0;
	s0 =	simm.s32 @!p2 $0x0  }
0x16: {  	s3 =	sld [smem:$0x3FDB];
	s0 =	simm.s32 @p2 $0x1  }
0x17: {  	s4 =	simm.s32 $0x1BF5;
	[smem:$0x3FBB] =	sst s0  }
0x18: {  	s0 =	sld [smem:$0x3F9E];
	_ =	swait.ge [sflag:s4], $0x0  }
0x19: {  	s7 =	sld [smem:$0x3F9F]  }
0x1a: {  	s8 =	sadd.s32 $0xFFFFE003, lr  }
0x1b: {  	s9 =	sadd.s32 $0xFFFFFEF7, lr;
	s5 =	simm.s32 $0xFFFFFFFF;
	p2 =	slt.u32 s8, $0xFFFFF086  }
0x1c: {  	p1 =	slt.u32 s9, $0xF7A;
	s5 =	simm.s32 @!p2 $0x0  }
0x1d: {  	s5 =	simm.s32 @p1 $0x1;
	p0 =	seq.s32 s7, s2  }
0x1e: {  	s7 =	smul.u32 @!p0 $0xF7A, s2;
	p2 =	seq.s32 @!p0 s5, $0x0  }
0x1f: {  	s9 =	smul.u32 $0xF7A, s1;
	s8 =	simm.s32 @!p0 $0x1BF5;
	p2 =	por !p2, p0  }
0x20: {  	[sflag:s8] =	ssyncset.s32 @!p0 $0xFFFFF086;
	s6 =	sadd.s32 @!p0 s3, s7;
	s7 =	simm.s32 @!p0 $0x108  }
0x21: {  	s3 =	sadd.s32 s3, s9;
	s6 =	sadd.s32 @!p0 $0x88, s6;
	s7 =	simm.s32 @p2 $0x1082  }
0x22: {  	[simem:s7], [sflag:s8] =	dma.local @!p0 [hbm:s6], $0xF7A  }
0x23: {  	s9 =	sor.u32 $0xD0000000, s2;
	s6 =	simm.s32 $0x108;
	_ =	swait.ge @!p0 [sflag:s8], $0x0  }
0x24: {  	s3 =	sadd.s32 $0x88, s3;
	s6 =	simm.s32 @!p1 $0x1082;
	[sflag:s4] =	ssyncset.s32 $0xFFFFF086  }
0x25: {  	[simem:s6], [sflag:s4] =	dma.local [hbm:s3], $0xF7A  }
0x26: {  	[smem:$0x3F9F] =	sst s1;
	(tag) =	ssettag s2;
	_ =	strace s9  }
0x27: {  	s1 =	sld [smem:$0x3FAF]  }
0x28: {  	s2 =	sld [smem:$0x3FB0]  }
0x29: {  	s4 =	sld [smem:$0x3FB2]  }
0x2a: {  	p0 =	seq.s32 s5, $0x0;
	s5 =	sld [smem:$0x3FB3]  }
0x2b: {  	s6 =	sld [smem:$0x3FB4]  }
0x2c: {  	s7 =	sld [smem:$0x3FB5]  }
0x2d: {  	s3 =	simm.s32 $0x108;
	s8 =	sld [smem:$0x3FB6]  }
0x2e: {  	s3 =	simm.s32 @!p0 $0x1082;
	s9 =	sld [smem:$0x3FB7]  }
0x2f: {  	lr =	sadd.s32 s0, s3;
	s0 =	sld [smem:$0x3FAE]  }
0x30: {  	s3 =	sld [smem:$0x3FB1]  }
0x31: {  	[smem:$0x3FBA] =	sst s10  }
0x32: {  	s10 =	sld [smem:$0x3FB8];
	_ =	sdelay $0x3  }
0x33: {  	p0 =	seq.s32 s10, $0x1;
	s10 =	sld [smem:$0x3FBA];
	_ =	sdelay $0x3  }
0x34: {  	[smem:$0x3FBA] =	sst s10  }
0x35: {  	s10 =	sld [smem:$0x3FB9];
	_ =	sdelay $0x3  }
0x36: {  	p1 =	seq.s32 s10, $0x1;
	s10 =	sld [smem:$0x3FBA];
	_ =	sdelay $0x3  }
0x37: {  	[smem:$0x3FBA] =	sst s10  }
0x38: {  	s10 =	sld [smem:$0x3FBB]  }
0x39: {  	_ = 	snop;
	(pc) =	sbr.ind lr, $3  }
0x3a: {  	_ = 	snop  }
0x3b: {  	_ = 	snop  }
0x3c: {  	p2 =	seq.s32 s10, $0x1;
	s10 =	sld [smem:$0x3FBA]  }
0x3d: {  	_ =	shalt  }
0x3e: {  	_ =	shalt  }
0x3f: {  	_ =	shalt  }
0x40: {  	_ =	shalt  }
0x41: {  	_ =	shalt  }
0x42: {  	_ =	shalt  }
0x43: {  	_ =	shalt  }
0x44: {  	_ =	shalt  }
0x45: {  	_ =	shalt  }
0x46: {  	_ =	shalt  }
0x47: {  	_ =	shalt  }
0x48: {  	_ =	shalt  }
0x49: {  	_ =	shalt  }
0x4a: {  	_ =	shalt  }
0x4b: {  	_ =	shalt  }
0x4c: {  	_ =	shalt  }
0x4d: {  	_ =	shalt  }
0x4e: {  	_ =	shalt  }
0x4f: {  	_ =	shalt  }
0x50: {  	_ =	shalt  }
0x51: {  	_ =	shalt  }
0x52: {  	_ =	shalt  }
0x53: {  	_ =	shalt  }
0x54: {  	_ =	shalt  }
0x55: {  	_ =	shalt  }
0x56: {  	_ =	shalt  }
0x57: {  	_ =	shalt  }
0x58: {  	_ =	shalt  }
0x59: {  	_ =	shalt  }
0x5a: {  	_ =	shalt  }
0x5b: {  	_ =	shalt  }
0x5c: {  	_ =	shalt  }
0x5d: {  	_ =	shalt  }
0x5e: {  	_ =	shalt  }
0x5f: {  	_ =	shalt  }
0x60: {  	_ =	shalt  }
0x61: {  	_ =	shalt  }
0x62: {  	_ =	shalt  }
0x63: {  	_ =	shalt  }
0x64: {  	_ =	shalt  }
0x65: {  	_ =	shalt  }
0x66: {  	_ =	shalt  }
0x67: {  	_ =	shalt  }
0x68: {  	_ =	shalt  }
0x69: {  	_ =	shalt  }
0x6a: {  	_ =	shalt  }
0x6b: {  	_ =	shalt  }
0x6c: {  	_ =	shalt  }
0x6d: {  	_ =	shalt  }
0x6e: {  	_ =	shalt  }
0x6f: {  	_ =	shalt  }
0x70: {  	_ =	shalt  }
0x71: {  	_ =	shalt  }
0x72: {  	_ =	shalt  }
0x73: {  	_ =	shalt  }
0x74: {  	_ =	shalt  }
0x75: {  	_ =	shalt  }
0x76: {  	_ =	shalt  }
0x77: {  	_ =	shalt  }
0x78: {  	_ =	shalt  }
0x79: {  	_ =	shalt  }
0x7a: {  	_ =	shalt  }
0x7b: {  	_ =	shalt  }
0x7c: {  	_ =	shalt  }
0x7d: {  	_ =	shalt  }
0x7e: {  	_ =	shalt  }
0x7f: {  	_ =	shalt  }
0x80: {  	_ =	shalt  }
0x81: {  	_ =	shalt  }
0x82: {  	_ =	shalt  }
0x83: {  	_ =	shalt  }
0x84: {  	_ =	shalt  }
0x85: {  	_ =	shalt  }
0x86: {  	_ =	shalt  }
0x87: {  	_ =	shalt  }
.Lfunc_end0:
.L_simem_size_0:
called_computation_lowered:
.L_overlay_start_0:
0x88: {  	s2 =	sld [smem:$0x3FD9]  }
0x89: {  	s3 =	sld [smem:$0x3FFE];
	_ =	sdelay $0x1  }
0x8a: {  	s1 =	srdreg.scid  }
0x8b: {  	s0 =	sand.u32 $0x1, s1  }
0x8c: {  	s17 =	sshll.u32 s0, $0xA;
	s2 =	sadd.s32 s3, s2  }
0x8d: {  	s2 =	sadd.s32 s2, s17  }
0x8e: {  	[smem:$0x3FC6] =	sst s2  }
0x8f: {  	_ = 	snop  }
0x90: {  	s2 =	sld [smem:$0x3FC9];
	(tm) =	ssettm $0x1  }
0x91: {  	s18 =	sld [smem:$0x3FFB];
	_ =	sdelay $0x3  }
0x92: {  	_ =	strace s18  }
0x93: {  	s3 =	sld [smem:$0x3FFC];
	_ =	sdelay $0x3  }
0x94: {  	_ =	strace s3  }
0x95: {  	s3 =	sld [smem:$0x3FFD];
	_ =	sdelay $0x3  }
0x96: {  	_ =	strace s3  }
0x97: {  	_ =	strace $0x8FFFFFFF  }
0x98: {  	s19 =	sld [smem:$0x3FDB];
	_ =	sdelay $0x1  }
0x99: {  	s4 =	simm.s32 $_scs_section_size  }
0x9a: {  	s5 =	simm.s32 $_size__tile_overlayer_lowered;
	s6 =	simm.s32 $_tile_overlayer_lowered  }
0x9b: {  	s22 =	simm.s32 $0x1BFF;
	s21 =	sshll.u32 s6, $0x1;
	s3 =	sadd.s32 s4, s19  }
0x9c: {  	s7 =	simm.s32 $0x0;
	s20 =	sshll.u32 s5, $0x1;
	s5 =	sadd.s32 s21, s3  }
0x9d: {  	[timem:s7], [sflag:s22] =	dma.local [hbm:s5], s20  }
0x9e: {  	_ =	swait.ge [sflag:s22], s20  }
0x9f: {  	s4 =	ssub.s32 $0x0, s20;
	[sflag:s22] =	ssyncset.done $0x0  }
0xa0: {  	[sflag:s22] =	ssyncadd.s32 s4;
	_ =	sdelay $0x1  }
0xa1: {  	s23 =	simm.s32 $0x1B8B  }
0xa2: {  	_ =	swait.ge [sflag:s23], $0x1  }
0xa3: {  	[sflag:s23] =	ssyncset.done $0x0  }
0xa4: {  	s25 =	simm.s32 $0x1B8E;
	s24 =	sld [smem:$0x3FFE];
	[sflag:s23] =	ssyncadd.s32 $0xFFFFFFFF  }
0xa5: {  	s26 =	simm.s32 $execute0_lowered;
	[smem:$0x3FD2] =	sst s25  }
0xa6: {  	s5 =	sshll.u32 s26, $0x1;
	_ =	strace $0x80000046;
	[dreg:$0x1] =	wrdreg $0xFFFFFFFF  }
0xa7: {  	s28 =	simm.s32 $_size_execute0_lowered;
	s3 =	sadd.s32 s3, s5;
	[dreg:$0x0] =	wrdreg $0x0  }
0xa8: {  	s5 =	sshll.u32 s28, $0x1;
	[dreg:$0x2] =	wrdreg s3  }
0xa9: {  	[dreg:$0x3] =	wrdreg s5  }
0xaa: {  	[dreg:$0x4] =	wrdreg $0xC0  }
0xab: {  	_ =	task [dreg:s7], $0x5FFFF  }
0xac: {  	[dreg:$0x1] =	wrdreg $0xFFFFFFFF  }
0xad: {  	[dreg:$0x0] =	wrdreg $0x60  }
0xae: {  	[dreg:$0x2] =	wrdreg s2  }
0xaf: {  	[dreg:$0x3] =	wrdreg s24  }
0xb0: {  	[dreg:$0x4] =	wrdreg $0x9  }
0xb1: {  	_ =	task.clear_ibuf [dreg:s7], $0x5FFFF;
	_ =	strace $0x90000046  }
0xb2: {  	s29 =	simm.s32 $0x9;
	_ =	strace $0x80000048  }
0xb3: {  	_ =	swait.ge [sflag:s29], $0x1  }
0xb4: {  	[sflag:s29] =	ssyncadd.s32 $0xFFFFFFFF  }
0xb5: {  	_ =	strace $0x90000048  }
0xb6: {  	_ =	sfence  }
0xb7: {  	s30 =	sld [smem:$0x0];
	_ =	sdelay $0x2  }
0xb8: {  	s31 =	sshll.u32 s1, $0xD;
	s1 =	sshrl.u32 s1, $0x2  }
0xb9: {  	s3 =	sand.u32 $0x4000, s31;
	s1 =	sadd.s32 s1, s30  }
0xba: {  	s0 =	sor.u32 s3, s0;
	s1 =	sshll.u32 s1, $0x11  }
0xbb: {  	s0 =	sor.u32 s1, s0  }
0xbc: {  	s0 =	sadd.s32 $0x8F2B, s0  }
0xbd: {  	[sflag:s0] =	ssyncadd.remote.s32 $0x1  }
0xbe: {  	_ =	sfence.sel $0xFFFF  }
0xbf: {  	[dreg:$0x0] =	wrdreg $0xFFFFFFFF;
	(pc) =	sbr.abs _section_cstart, $3  }
0xc0: {  	[dreg:$0x1] =	wrdreg $0xFFFFFFFF  }
0xc1: {  	_ =	task.clear_ibuf [dreg:s7], $0x2FFFF;
	_ =	strace $0x9FFFFFFF  }
0xc2: {  	(tm) =	ssettm $0x7FFFFFFF  }
0xc3: {  	_ =	shalt  }
tec
execute0_lowered:
.L_overlay_start_1:
0x0: {  	(tag) =	ssettag $0x1  }
0x1: {  	s1 =	srdreg.scid;
	s2 =	rddreg [dreg:$0x0]  }
0x2: {  	s0 =	stileid.u32;
	s5 =	rddreg [dreg:$0x1];
	s18 =	simm.s32 $0x880  }
0x3: {  	s19 =	simm.s32 $0x1080;
	s20 =	simm.s32 $0x1880;
	s21 =	simm.s32 $0x2080  }
0x4: {  	s23 =	simm.s32 $0x2880;
	s24 =	simm.s32 $0x3080;
	s25 =	simm.s32 $0x3880  }
0x5: {  	s26 =	simm.s32 $0x4080;
	s7 =	simm.s32 $0x80;
	s9 =	simm.s32 $0x5080  }
0x6: {  	s10 =	simm.s32 $0x5880;
	s11 =	simm.s32 $0x6080;
	s1 =	sand.u32 $0x1, s1  }
0x7: {  	s12 =	simm.s32 $0x6880;
	s3 =	sshll.u32 s0, $0x8;
	s4 =	sshll.u32 s1, $0x7  }
0x8: {  	s13 =	simm.s32 $0x7080;
	s4 =	sor.u32 s4, s3;
	s3 =	simm.s32 $0x0  }
0x9: {  	s14 =	simm.s32 $0x7880;
	s15 =	simm.s32 $0x8080;
	[smem:$0x7FF] =	sst s3  }
0xa: {  	s16 =	simm.s32 $0x8880;
	_ =	strace $0x80000047;
	[dreg:$0x5] =	wrdreg s18  }
0xb: {  	s28 =	simm.s32 $0xE080;
	s29 =	simm.s32 $0xE880;
	[dreg:$0x6] =	wrdreg s19  }
0xc: {  	s30 =	simm.s32 $0xF080;
	s1 =	ssub.s32 $0x2, s1;
	[dreg:$0x7] =	wrdreg s20  }
0xd: {  	s31 =	simm.s32 $0xF880;
	s22 =	sshrl.u32 s1, $0x1;
	[dreg:$0x8] =	wrdreg s21  }
0xe: {  	s6 =	sshrl.u32 s4, $0x3;
	s4 =	sshll.u32 s4, $0x6;
	[dreg:$0x9] =	wrdreg s23  }
0xf: {  	s1 =	ssub.s32 s1, s22;
	s22 =	simm.s32 $0xB880;
	[dreg:$0xa] =	wrdreg s24  }
0x10: {  	s6 =	sadd.s32 s6, s5;
	s4 =	sadd.s32 s4, s5;
	[dreg:$0xb] =	wrdreg s25  }
0x11: {  	s5 =	smax.u32 s1, $0x1;
	[dreg:$0xc] =	wrdreg s26;
	s18 =	simm.s32 $0x9880  }
0x12: {  	s19 =	simm.s32 $0xA080;
	s20 =	simm.s32 $0xA880;
	s21 =	simm.s32 $0xB080  }
0x13: {  	s23 =	simm.s32 $0xC080;
	s24 =	simm.s32 $0xC880;
	s25 =	simm.s32 $0xD080  }
0x14: {  	v2 =	vlaneseq.u32;
	s26 =	simm.s32 $0xD880;
	s1 =	simm.s32 $0x1;
	s17 =	sadd.s32 $0x200, s6  }
0x15: {  	vm0 =	vmmov $0xffff;
	v1 =	vshrl.u32 v2, $0x3;
	s4 =	sadd.s32 $0x400, s4;
	s6 =	simm.s32 $0x2;
	[dreg:$0x3] =	wrdreg s17  }
0x16: {  	v0 =	vand.u32 $0x7, v2;
	v2 =	vor.u32 $0x8, v2;
	v1 =	vmul.u32 $0x8, v1;
	[dreg:$0x4] =	wrdreg s4;
	s4 =	sadd.s32 $0x100, s2;
	s17 =	simm.s32 $0x9080  }
.LBB2_1:
0x17: {  	s0 =	rddreg [dreg:$0x3]  }
0x18: {  	[tilespmem:s3], [sflag:$0x2] =	stream.linear.gather [hbm4b:s0+s3], $0x80, $0x38;
	[tilespmem:$0x10080] =	vst v63  }
0x19: {  	_ =	swait.ge [sflag:s6], $0x80  }
0x1a: {  	[sflag:s6] =	ssyncset.done $0x0  }
0x1b: {  	[sflag:s6] =	ssyncadd.s32 $0xFFFFFF80  }
0x1c: {  	v3 =	vld [tilespmem:$0x0];
	_ =	sdelay $0x4  }
0x1d: {  	v4 =	vshll.u32 v3, $0x2  }
0x1e: {  	v3 =	vand.u32 $0x7, v3;
	v4 =	vand.u32 $0xFFFFFFE0, v4  }
0x1f: {  	v3 =	vor.u32 v3, v4  }
0x20: {  	v4 =	vperm.xlane v3, v0;
	_ =	sdelay $0x1  }
0x21: {  	v4 =	vadd.s32 v1, v4;
	_ =	sdelay $0x1  }
0x22: {  	v3 =	vperm.xlane v3, v2;
	_ =	sdelay $0x1  }
0x23: {  	v3 =	vadd.s32 v1, v3  }
0x24: {  	[tilespmem:s7], [sflag:$0x1] =	stream.indirect_vreg.gather [hbm4b:s2+s3], $0x80, v4, vm0, $0xb8;
	[tilespmem:$0x10080] =	vst v63  }
0x25: {  	s0 =	rddreg [dreg:$0x5]  }
0x26: {  	[tilespmem:s0], [sflag:$0x1] =	stream.indirect_vreg.gather [hbm4b:s4+s3], $0x80, v4, vm0, $0xb8;
	[tilespmem:$0x10080] =	vst v63  }
0x27: {  	s8 =	rddreg [dreg:$0x6]  }
0x28: {  	[tilespmem:s8], [sflag:$0x1] =	stream.indirect_vreg.gather [hbm4b:s2+s3], $0x80, v3, vm0, $0xb8;
	[tilespmem:$0x10080] =	vst v63  }
0x29: {  	s0 =	rddreg [dreg:$0x7]  }
0x2a: {  	[tilespmem:s0], [sflag:$0x1] =	stream.indirect_vreg.gather [hbm4b:s4+s3], $0x80, v3, vm0, $0xb8;
	[tilespmem:$0x10080] =	vst v63  }
0x2b: {  	v3 =	vld [tilespmem:$0x10];
	_ =	sdelay $0x4  }
0x2c: {  	v57 =	vshll.u32 v3, $0x2  }
0x2d: {  	v3 =	vand.u32 $0x7, v3;
	v4 =	vand.u32 $0xFFFFFFE0, v57  }
0x2e: {  	v3 =	vor.u32 v3, v4  }
0x2f: {  	v4 =	vperm.xlane v3, v0;
	_ =	sdelay $0x1  }
0x30: {  	v4 =	vadd.s32 v1, v4;
	_ =	sdelay $0x1  }
0x31: {  	v3 =	vperm.xlane v3, v2;
	_ =	sdelay $0x1  }
0x32: {  	s0 =	rddreg [dreg:$0x8];
	v3 =	vadd.s32 v1, v3  }
0x33: {  	[tilespmem:s0], [sflag:$0x1] =	stream.indirect_vreg.gather [hbm4b:s2+s3], $0x80, v4, vm0, $0xb8;
	[tilespmem:$0x10080] =	vst v63  }
0x34: {  	s8 =	rddreg [dreg:$0x9]  }
0x35: {  	[tilespmem:s8], [sflag:$0x1] =	stream.indirect_vreg.gather [hbm4b:s4+s3], $0x80, v4, vm0, $0xb8;
	[tilespmem:$0x10080] =	vst v63  }
0x36: {  	s0 =	rddreg [dreg:$0xa]  }
0x37: {  	[tilespmem:s0], [sflag:$0x1] =	stream.indirect_vreg.gather [hbm4b:s2+s3], $0x80, v3, vm0, $0xb8;
	[tilespmem:$0x10080] =	vst v63  }
0x38: {  	s8 =	rddreg [dreg:$0xb]  }
0x39: {  	[tilespmem:s8], [sflag:$0x1] =	stream.indirect_vreg.gather [hbm4b:s4+s3], $0x80, v3, vm0, $0xb8;
	[tilespmem:$0x10080] =	vst v63  }
0x3a: {  	v3 =	vld [tilespmem:$0x20];
	_ =	sdelay $0x4  }
0x3b: {  	v58 =	vshll.u32 v3, $0x2  }
0x3c: {  	v3 =	vand.u32 $0x7, v3;
	v4 =	vand.u32 $0xFFFFFFE0, v58  }
0x3d: {  	v3 =	vor.u32 v3, v4  }
0x3e: {  	v4 =	vperm.xlane v3, v0;
	_ =	sdelay $0x1  }
0x3f: {  	v4 =	vadd.s32 v1, v4;
	_ =	sdelay $0x1  }
0x40: {  	v3 =	vperm.xlane v3, v2;
	_ =	sdelay $0x1  }
0x41: {  	s8 =	rddreg [dreg:$0xc];
	v3 =	vadd.s32 v1, v3  }
0x42: {  	[tilespmem:s8], [sflag:$0x1] =	stream.indirect_vreg.gather [hbm4b:s2+s3], $0x80, v4, vm0, $0xb8;
	[tilespmem:$0x10080] =	vst v63  }
0x43: {  	s8 =	simm.s32 $0x4880  }
0x44: {  	[tilespmem:s8], [sflag:$0x1] =	stream.indirect_vreg.gather [hbm4b:s4+s3], $0x80, v4, vm0, $0xb8;
	[tilespmem:$0x10080] =	vst v63  }
0x45: {  	_ = 	snop  }
0x46: {  	[tilespmem:s9], [sflag:$0x1] =	stream.indirect_vreg.gather [hbm4b:s2+s3], $0x80, v3, vm0, $0xb8;
	[tilespmem:$0x10080] =	vst v63  }
0x47: {  	_ = 	snop  }
0x48: {  	[tilespmem:s10], [sflag:$0x1] =	stream.indirect_vreg.gather [hbm4b:s4+s3], $0x80, v3, vm0, $0xb8;
	[tilespmem:$0x10080] =	vst v63  }
0x49: {  	v3 =	vld [tilespmem:$0x30];
	_ =	sdelay $0x4  }
0x4a: {  	v59 =	vshll.u32 v3, $0x2  }
0x4b: {  	v3 =	vand.u32 $0x7, v3;
	v4 =	vand.u32 $0xFFFFFFE0, v59  }
0x4c: {  	v3 =	vor.u32 v3, v4  }
0x4d: {  	v4 =	vperm.xlane v3, v0;
	_ =	sdelay $0x1  }
0x4e: {  	v4 =	vadd.s32 v1, v4;
	_ =	sdelay $0x1  }
0x4f: {  	v3 =	vperm.xlane v3, v2;
	_ =	sdelay $0x1  }
0x50: {  	v3 =	vadd.s32 v1, v3  }
0x51: {  	[tilespmem:s11], [sflag:$0x1] =	stream.indirect_vreg.gather [hbm4b:s2+s3], $0x80, v4, vm0, $0xb8;
	[tilespmem:$0x10080] =	vst v63  }
0x52: {  	_ = 	snop  }
0x53: {  	[tilespmem:s12], [sflag:$0x1] =	stream.indirect_vreg.gather [hbm4b:s4+s3], $0x80, v4, vm0, $0xb8;
	[tilespmem:$0x10080] =	vst v63  }
0x54: {  	_ = 	snop  }
0x55: {  	[tilespmem:s13], [sflag:$0x1] =	stream.indirect_vreg.gather [hbm4b:s2+s3], $0x80, v3, vm0, $0xb8;
	[tilespmem:$0x10080] =	vst v63  }
0x56: {  	_ = 	snop  }
0x57: {  	[tilespmem:s14], [sflag:$0x1] =	stream.indirect_vreg.gather [hbm4b:s4+s3], $0x80, v3, vm0, $0xb8;
	[tilespmem:$0x10080] =	vst v63  }
0x58: {  	v3 =	vld [tilespmem:$0x40];
	_ =	sdelay $0x4  }
0x59: {  	v60 =	vshll.u32 v3, $0x2  }
0x5a: {  	v3 =	vand.u32 $0x7, v3;
	v4 =	vand.u32 $0xFFFFFFE0, v60  }
0x5b: {  	v3 =	vor.u32 v3, v4  }
0x5c: {  	v4 =	vperm.xlane v3, v0;
	_ =	sdelay $0x1  }
0x5d: {  	v4 =	vadd.s32 v1, v4;
	_ =	sdelay $0x1  }
0x5e: {  	v3 =	vperm.xlane v3, v2;
	_ =	sdelay $0x1  }
0x5f: {  	v3 =	vadd.s32 v1, v3  }
0x60: {  	[tilespmem:s15], [sflag:$0x1] =	stream.indirect_vreg.gather [hbm4b:s2+s3], $0x80, v4, vm0, $0xb8;
	[tilespmem:$0x10080] =	vst v63  }
0x61: {  	_ = 	snop  }
0x62: {  	[tilespmem:s16], [sflag:$0x1] =	stream.indirect_vreg.gather [hbm4b:s4+s3], $0x80, v4, vm0, $0xb8;
	[tilespmem:$0x10080] =	vst v63  }
0x63: {  	_ = 	snop  }
0x64: {  	[tilespmem:s17], [sflag:$0x1] =	stream.indirect_vreg.gather [hbm4b:s2+s3], $0x80, v3, vm0, $0xb8;
	[tilespmem:$0x10080] =	vst v63  }
0x65: {  	_ = 	snop  }
0x66: {  	[tilespmem:s18], [sflag:$0x1] =	stream.indirect_vreg.gather [hbm4b:s4+s3], $0x80, v3, vm0, $0xb8;
	[tilespmem:$0x10080] =	vst v63  }
0x67: {  	v3 =	vld [tilespmem:$0x50];
	_ =	sdelay $0x4  }
0x68: {  	v61 =	vshll.u32 v3, $0x2  }
0x69: {  	v3 =	vand.u32 $0x7, v3;
	v4 =	vand.u32 $0xFFFFFFE0, v61  }
0x6a: {  	v3 =	vor.u32 v3, v4  }
0x6b: {  	v4 =	vperm.xlane v3, v0;
	_ =	sdelay $0x1  }
0x6c: {  	v4 =	vadd.s32 v1, v4;
	_ =	sdelay $0x1  }
0x6d: {  	v3 =	vperm.xlane v3, v2;
	_ =	sdelay $0x1  }
0x6e: {  	v3 =	vadd.s32 v1, v3  }
0x6f: {  	[tilespmem:s19], [sflag:$0x1] =	stream.indirect_vreg.gather [hbm4b:s2+s3], $0x80, v4, vm0, $0xb8;
	[tilespmem:$0x10080] =	vst v63  }
0x70: {  	_ = 	snop  }
0x71: {  	[tilespmem:s20], [sflag:$0x1] =	stream.indirect_vreg.gather [hbm4b:s4+s3], $0x80, v4, vm0, $0xb8;
	[tilespmem:$0x10080] =	vst v63  }
0x72: {  	_ = 	snop  }
0x73: {  	[tilespmem:s21], [sflag:$0x1] =	stream.indirect_vreg.gather [hbm4b:s2+s3], $0x80, v3, vm0, $0xb8;
	[tilespmem:$0x10080] =	vst v63  }
0x74: {  	_ = 	snop  }
0x75: {  	[tilespmem:s22], [sflag:$0x1] =	stream.indirect_vreg.gather [hbm4b:s4+s3], $0x80, v3, vm0, $0xb8;
	[tilespmem:$0x10080] =	vst v63  }
0x76: {  	v3 =	vld [tilespmem:$0x60];
	_ =	sdelay $0x4  }
0x77: {  	v62 =	vshll.u32 v3, $0x2  }
0x78: {  	v3 =	vand.u32 $0x7, v3;
	v4 =	vand.u32 $0xFFFFFFE0, v62  }
0x79: {  	v3 =	vor.u32 v3, v4  }
0x7a: {  	v4 =	vperm.xlane v3, v0;
	_ =	sdelay $0x1  }
0x7b: {  	v4 =	vadd.s32 v1, v4;
	_ =	sdelay $0x1  }
0x7c: {  	v3 =	vperm.xlane v3, v2;
	_ =	sdelay $0x1  }
0x7d: {  	v3 =	vadd.s32 v1, v3  }
0x7e: {  	[tilespmem:s23], [sflag:$0x1] =	stream.indirect_vreg.gather [hbm4b:s2+s3], $0x80, v4, vm0, $0xb8;
	[tilespmem:$0x10080] =	vst v63  }
0x7f: {  	_ = 	snop  }
0x80: {  	[tilespmem:s24], [sflag:$0x1] =	stream.indirect_vreg.gather [hbm4b:s4+s3], $0x80, v4, vm0, $0xb8;
	[tilespmem:$0x10080] =	vst v63  }
0x81: {  	_ = 	snop  }
0x82: {  	[tilespmem:s25], [sflag:$0x1] =	stream.indirect_vreg.gather [hbm4b:s2+s3], $0x80, v3, vm0, $0xb8;
	[tilespmem:$0x10080] =	vst v63  }
0x83: {  	_ = 	snop  }
0x84: {  	[tilespmem:s26], [sflag:$0x1] =	stream.indirect_vreg.gather [hbm4b:s4+s3], $0x80, v3, vm0, $0xb8;
	[tilespmem:$0x10080] =	vst v63  }
0x85: {  	v3 =	vld [tilespmem:$0x70];
	_ =	sdelay $0x4  }
0x86: {  	v63 =	vshll.u32 v3, $0x2  }
0x87: {  	v3 =	vand.u32 $0x7, v3;
	v4 =	vand.u32 $0xFFFFFFE0, v63  }
0x88: {  	v3 =	vor.u32 v3, v4  }
0x89: {  	v4 =	vperm.xlane v3, v0;
	_ =	sdelay $0x1  }
0x8a: {  	v4 =	vadd.s32 v1, v4;
	_ =	sdelay $0x1  }
0x8b: {  	v3 =	vperm.xlane v3, v2;
	_ =	sdelay $0x1  }
0x8c: {  	v3 =	vadd.s32 v1, v3  }
0x8d: {  	[tilespmem:s28], [sflag:$0x1] =	stream.indirect_vreg.gather [hbm4b:s2+s3], $0x80, v4, vm0, $0xb8;
	[tilespmem:$0x10080] =	vst v63  }
0x8e: {  	_ = 	snop  }
0x8f: {  	[tilespmem:s29], [sflag:$0x1] =	stream.indirect_vreg.gather [hbm4b:s4+s3], $0x80, v4, vm0, $0xb8;
	[tilespmem:$0x10080] =	vst v63  }
0x90: {  	_ = 	snop  }
0x91: {  	[tilespmem:s30], [sflag:$0x1] =	stream.indirect_vreg.gather [hbm4b:s2+s3], $0x80, v3, vm0, $0xb8;
	[tilespmem:$0x10080] =	vst v63  }
0x92: {  	_ = 	snop  }
0x93: {  	[tilespmem:s31], [sflag:$0x1] =	stream.indirect_vreg.gather [hbm4b:s4+s3], $0x80, v3, vm0, $0xb8;
	[tilespmem:$0x10080] =	vst v63  }
0x94: {  	_ =	swait.ge [sflag:s1], $0x10000  }
0x95: {  	p0 =	sne.s32 s5, $0x1;
	[sflag:s1] =	ssyncset.done $0x0  }
.Ltmp0:
0x96: {  	s8 =	rddreg [dreg:$0x4];
	[sflag:s1] =	ssyncadd.s32 $0xFFFF0000;
	(pc) =	sbr.rel @p0 .LBB2_1-.Ltmp0, $4  }
0x97: {  	[hbm4b:s8+s3] =	stream.linear.scatter [tilespmem:s7], [sflag:$0x2], $0x10000, $0x38;
	[tilespmem:$0x10080] =	vst v63  }
0x98: {  	_ =	swait.ge [sflag:s6], $0x10000  }
0x99: {  	[sflag:s6] =	ssyncset.done $0x0  }
0x9a: {  	s5 =	sadd.s32 $0xFFFFFFFF, s5;
	[sflag:s6] =	ssyncadd.s32 $0xFFFF0000  }
0x9b: {  	_ =	sfence.sel $0x180000  }
0x9c: {  	[bflag:$0x0] =	sbarrier.arrive $0xFFFF  }
0x9d: {  	_ =	strace $0x90000047  }
0x9e: {  	s0 =	stileid.u32;
	[bflag:$0x2] =	sbarrier.arrive $0xFFFF  }
0x9f: {  	p0 =	sne.s32 s0, $0x0;
	s0 =	rddreg [dreg:$0x2]  }
0xa0: {  	s0 =	sadd.s32 @!p0 $0x100000, s0  }
0xa1: {  	[sflag:s0] =	ssyncadd.tile.s32 @!p0 $0x1;
	_ =	shalt  }
.Lfunc_end2:
_tile_overlayer_lowered:
.L_overlay_start_2:
0xa2: {  	(tag) =	ssettag $0x2  }
0xa3: {  	s0 =	rddreg [dreg:$0x0];
	s2 =	stileid.u32  }
0xa4: {  	s1 =	rddreg [dreg:$0x1];
	p0 =	sne.s32 s2, $0x0  }
0xa5: {  	s3 =	rddreg [dreg:$0x2];
	[bflag:$0x3] =	sbarrier.arrive $0xFFFF;
	s2 =	simm.s32 @!p0 $0x1C02  }
0xa6: {  	[timem:s3], [sflag:s2] =	dma.local @!p0 [hbm:s0], s1  }
0xa7: {  	s0 =	simm.s32 @!p0 $0x2  }
0xa8: {  	_ =	swait.ge @!p0 [sflag:s0], s1  }
0xa9: {  	s1 =	ssub.s32 @!p0 $0x0, s1;
	[sflag:s0] =	ssyncset.done @!p0 $0x0  }
0xaa: {  	[sflag:s0] =	ssyncadd.s32 @!p0 s1  }
0xab: {  	[bflag:$0x3] =	sbarrier.arrive $0xFFFF  }
0xac: {  	_ =	shalt  }

</sc_bundles>
